<compile_context>
chip_gen: v7x
topology: tpu7x:2x2x1
jax: 0.10.2.dev20260603
libtpu: 0.0.44.dev20260713+nightly
codegen_flags: <defaults>
</compile_context>

<pallas_src>
import jax
import jax.numpy as jnp
from jax import lax
from jax.experimental import pallas as pl
from jax.experimental.pallas import tpu as pltpu
from jax.experimental.pallas import tpu_sc as plsc

_B = 8
_C_AB = 6
_C_B = 3
_H = 512
_W = 512
_S = 64
_PRO = 62
_R = 64
_NEG = -3.4e38


def _sc_loc_body(score_map, rcl, score_v, out_v):
    wid = lax.axis_index("s") * 2 + lax.axis_index("c")
    iota = lax.iota(jnp.int32, 16)

    @pl.when(wid < _B)
    def _():
        b = wid
        pltpu.sync_copy(score_map.at[b, 0], score_v)

        def row_step(r, carry):
            rmax, ridx = carry
            for k in range(4):
                v = score_v[r, pl.ds(16 * k, 16)]
                if k == 3:
                    v = jnp.where(iota < _PRO - 48, v, jnp.float32(_NEG))
                cm = jnp.max(v)
                pos = jnp.min(jnp.where(v == cm, iota, 16))
                flat = r * _PRO + 16 * k + pos
                upd = cm > rmax
                rmax = jnp.where(upd, cm, rmax)
                ridx = jnp.where(upd, flat, ridx)
            return rmax, ridx

        rmax, ridx = lax.fori_loop(0, _PRO, row_step,
                                   (jnp.float32(_NEG), jnp.int32(0)))
        valid = rmax > 0.0
        rb = jnp.where(valid, ridx // _PRO, 0) * 6 + 70
        cb = jnp.where(valid, ridx % _PRO, 0) * 6 + 70
        vec = jnp.where(iota < 8, rb, cb)
        for r in range(8):
            out_v[r, :] = vec
        pltpu.sync_copy(out_v, rcl.at[b])


_sc_loc = pl.kernel(
    _sc_loc_body,
    out_type=jax.ShapeDtypeStruct((_B, 8, 16), jnp.int32),
    mesh=plsc.VectorSubcoreMesh(core_axis_name="c", subcore_axis_name="s"),
    compiler_params=pltpu.CompilerParams(needs_layout_passes=False),
    scratch_types=[
        pltpu.VMEM((_S, _S), jnp.float32),
        pltpu.VMEM((8, 16), jnp.int32),
    ],
)


def _tc_crop_body(rcl_ref, rB0, rB1, fB0, fB1, xs_ref, ft_ref,
                  rBr_ref, fBr_ref, fab_ref):
    b = pl.program_id(0)
    rb = rcl_ref[b, 0, 0]
    cb = rcl_ref[b, 0, 8]
    o = rb - (rb // 64) * 64

    def win(a0, a1):
        v = jnp.concatenate([a0[0, 0], a1[0, 0]], axis=0)
        v = pltpu.roll(v, lax.rem(128 - o, 128), axis=0)
        v = pltpu.roll(v, _W - cb, axis=1)
        return v[:_R, :_R]

    rBr_ref[0, 0] = win(rB0, rB1)
    fBr_ref[0, 0] = win(fB0, fB1)

    @pl.when(pl.program_id(1) == 0)
    def _():
        roff = rb - (rb // 8) * 8
        r8 = lax.broadcasted_iota(jnp.int32, (1, _C_AB, 8, _W), 2)
        c8 = lax.broadcasted_iota(jnp.int32, (1, _C_AB, 8, _W), 3)
        m = (r8 == roff) & (c8 == cb)
        fab_ref[...] = jnp.where(m, ft_ref[...], xs_ref[...])


def _crop_map0(b, c, rcl):
    return (b, c, rcl[b, 0, 0] // 64, 0)


def _crop_map1(b, c, rcl):
    q1 = rcl[b, 0, 0] // 64 + 1
    return (b, c, jnp.minimum(q1, (_H // 64) - 1), 0)


_tc_crop = pl.pallas_call(
    _tc_crop_body,
    grid_spec=pltpu.PrefetchScalarGridSpec(
        num_scalar_prefetch=1,
        grid=(_B, _C_B),
        in_specs=[
            pl.BlockSpec((1, 1, 64, _W), _crop_map0),
            pl.BlockSpec((1, 1, 64, _W), _crop_map1),
            pl.BlockSpec((1, 1, 64, _W), _crop_map0),
            pl.BlockSpec((1, 1, 64, _W), _crop_map1),
            pl.BlockSpec((1, _C_AB, 8, _W),
                         lambda b, c, rcl: (b, 0, rcl[b, 0, 0] // 8, 0)),
            pl.BlockSpec((1, _C_AB, 8, _W),
                         lambda b, c, rcl: (b, 0, rcl[b, 0, 0] // 8, 0)),
        ],
        out_specs=[
            pl.BlockSpec((1, 1, _R, _R), lambda b, c, rcl: (b, c, 0, 0)),
            pl.BlockSpec((1, 1, _R, _R), lambda b, c, rcl: (b, c, 0, 0)),
            pl.BlockSpec((1, _C_AB, 8, _W),
                         lambda b, c, rcl: (b, 0, rcl[b, 0, 0] // 8, 0)),
        ],
    ),
    out_shape=(
        jax.ShapeDtypeStruct((_B, _C_B, _R, _R), jnp.float32),
        jax.ShapeDtypeStruct((_B, _C_B, _R, _R), jnp.float32),
        jax.ShapeDtypeStruct((_B, _C_AB, _H, _W), jnp.float32),
    ),
    input_output_aliases={5: 2},
    compiler_params=pltpu.CompilerParams(
        dimension_semantics=("arbitrary", "arbitrary"),
    ),
)


def _tc_copy_body(in_ref, out_ref):
    out_ref[...] = in_ref[...]


_FLAT = _B * _C_AB * _H
_CPB = 4096
_tc_copy = pl.pallas_call(
    _tc_copy_body,
    grid=(_FLAT // _CPB,),
    in_specs=[pl.BlockSpec((_CPB, _W), lambda i: (i, 0))],
    out_specs=pl.BlockSpec((_CPB, _W), lambda i: (i, 0)),
    out_shape=jax.ShapeDtypeStruct((_FLAT, _W), jnp.float32),
    compiler_params=pltpu.CompilerParams(
        dimension_semantics=("arbitrary",),
    ),
)


def kernel(real_AB, fake_AB, score_map, real_B, fake_B):
    rcl = _sc_loc(score_map)
    copied = _tc_copy(real_AB.reshape(_FLAT, _W)).reshape(real_AB.shape)
    real_Br, fake_Br, fake_ABm = _tc_crop(
        rcl, real_B, real_B, fake_B, fake_B, copied, fake_AB)
    return fake_ABm, real_Br, fake_Br

# --- scband reference (transcript-rebuilt; emitter-appended) ---
"""Pipeline reference for scband-proposal-90933047591045 (READ-ONLY COPY).

The authoritative reference and input builder live on the scoring server;
editing this copy changes nothing except your own understanding.
"""

import jax, jax.numpy as jnp
import numpy as np

WINDOW_W = 3
WINDOW_H = 3
REGION_W = 64
REGION_H = 64
STRIDE = 1
RECEPTIVE = 70.0


def crop_and_resize(images, boxes, crop_h, crop_w, extrapolation_value=0.0):
    # images: [N, C, H, W]; boxes: [N, 4] normalized (y1, x1, y2, x2), TF crop_and_resize semantics
    N, C, H, W = images.shape

    def one(img, box):
        y1, x1, y2, x2 = box[0], box[1], box[2], box[3]
        iy = jnp.arange(crop_h, dtype=jnp.float32)
        ix = jnp.arange(crop_w, dtype=jnp.float32)
        in_y = y1 * (H - 1) + iy * (y2 - y1) * (H - 1) / (crop_h - 1)
        in_x = x1 * (W - 1) + ix * (x2 - x1) * (W - 1) / (crop_w - 1)
        vy = (in_y >= 0) & (in_y <= H - 1)
        vx = (in_x >= 0) & (in_x <= W - 1)
        yt = jnp.clip(jnp.floor(in_y), 0, H - 1)
        yb = jnp.clip(yt + 1, 0, H - 1)
        ly = in_y - yt
        xl = jnp.clip(jnp.floor(in_x), 0, W - 1)
        xr = jnp.clip(xl + 1, 0, W - 1)
        lx = in_x - xl
        yt_i = yt.astype(jnp.int32)
        yb_i = yb.astype(jnp.int32)
        xl_i = xl.astype(jnp.int32)
        xr_i = xr.astype(jnp.int32)

        def samp(yi, xi):
            return img[:, yi][:, :, xi]  # [C, crop_h, crop_w]

        tl = samp(yt_i, xl_i)
        tr = samp(yt_i, xr_i)
        bl = samp(yb_i, xl_i)
        br = samp(yb_i, xr_i)
        top = tl + (tr - tl) * lx[None, None, :]
        bot = bl + (br - bl) * lx[None, None, :]
        val = top + (bot - top) * ly[None, :, None]
        valid = (vy[:, None] & vx[None, :])[None, :, :]
        return jnp.where(valid, val, extrapolation_value)

    return jax.vmap(one)(images, boxes)


def roialign(fm, boxes, crop_h, crop_w):
    # transform_fpcoor=True path of longcw/RoIAlign.pytorch
    H, W = fm.shape[2], fm.shape[3]
    x1, y1, x2, y2 = boxes[:, 0:1], boxes[:, 1:2], boxes[:, 2:3], boxes[:, 3:4]
    spacing_w = (x2 - x1) / float(crop_w)
    spacing_h = (y2 - y1) / float(crop_h)
    nx0 = (x1 + spacing_w / 2 - 0.5) / float(W - 1)
    ny0 = (y1 + spacing_h / 2 - 0.5) / float(H - 1)
    nw = spacing_w * float(crop_w - 1) / float(W - 1)
    nh = spacing_h * float(crop_h - 1) / float(H - 1)
    nboxes = jnp.concatenate([ny0, nx0, ny0 + nh, nx0 + nw], axis=1)
    return crop_and_resize(fm, nboxes, crop_h, crop_w)


def localize(score_map, inp):
    # faithful vectorization of the strict-greater scan (first max wins, score must exceed 0)
    B, C, Hs, Ws = score_map.shape
    pro_h = (Hs - WINDOW_H) // STRIDE + 1
    pro_w = (Ws - WINDOW_W) // STRIDE + 1
    sub = score_map[:, :, :pro_w, :pro_h].mean(axis=1)  # [B, pro_w, pro_h]
    flat = sub.reshape(B, -1)
    idx = jnp.argmax(flat, axis=1)
    mx = jnp.max(flat, axis=1)
    xs = (idx // pro_h).astype(jnp.float32) * STRIDE
    ys = (idx % pro_h).astype(jnp.float32) * STRIDE
    xs = jnp.where(mx > 0, xs, 0.0)
    ys = jnp.where(mx > 0, ys, 0.0)
    img_stride = (inp.shape[2] - RECEPTIVE) // score_map.shape[2]
    ax = jnp.stack([xs, ys], axis=1) * img_stride + RECEPTIVE
    return jax.lax.stop_gradient(ax)


def mask_operation(real_AB, fake_AB, ax):
    B, C, H, W = real_AB.shape
    xi = ax[:, 0].astype(jnp.int32)
    yi = ax[:, 1].astype(jnp.int32)
    r = jnp.arange(H)
    mxm = ((r[None, :] >= xi[:, None]) & (r[None, :] < xi[:, None] + STRIDE)).astype(jnp.float32)
    c = jnp.arange(W)
    mym = ((c[None, :] >= yi[:, None]) & (c[None, :] < yi[:, None] + STRIDE)).astype(jnp.float32)
    mask = mxm[:, None, :, None] * mym[:, None, None, :]
    return fake_AB * mask + real_AB * (1 - mask)


def setup_inputs(seed: int = 0):
    key = jax.random.key(seed)
    ks = jax.random.split(key, 5)
    B, H, W = 8, 512, 512
    return {
        "real_AB": jax.random.normal(ks[0], (B, 6, H, W), dtype=jnp.float32),
        "fake_AB": jax.random.normal(ks[1], (B, 6, H, W), dtype=jnp.float32),
        "score_map": jax.random.uniform(ks[2], (B, 1, 64, 64), dtype=jnp.float32),
        "real_B": jax.random.normal(ks[3], (B, 3, H, W), dtype=jnp.float32),
        "fake_B": jax.random.normal(ks[4], (B, 3, H, W), dtype=jnp.float32),
    }


def reference(real_AB, fake_AB, score_map, real_B, fake_B):
    ax = localize(score_map, real_AB)
    # original passes boxes as [y, x, y+region_h, x+region_w]
    boxes = jnp.stack([ax[:, 1], ax[:, 0], ax[:, 1] + REGION_H, ax[:, 0] + REGION_W], axis=1)
    fake_Br = roialign(fake_B, boxes, REGION_H, REGION_W)
    real_Br = roialign(real_B, boxes, REGION_H, REGION_W)
    fake_ABm = mask_operation(real_AB, fake_AB, ax)
    return (fake_ABm, real_Br, fake_Br)

if __name__ == "__main__":
    import jax
    _d = setup_inputs()
    print(jax.jit(kernel)(*tuple(_d.values())))

</pallas_src>

<mosaic_0001>
#map = affine_map<(d0, d1) -> (0, 0, 0, 0)>
#map1 = affine_map<(d0, d1) -> (0, 0, 0)>
module attributes {stable_mosaic.version = 14 : i64} {
  func.func @_sc_loc_body(%arg0: i32, %arg1: i32, %arg2: memref<8x1x64x64xf32, #tpu.memory_space<hbm>>, %arg3: memref<8x8x16xi32, #tpu.memory_space<hbm>>, %arg4: memref<64x64xf32, #tpu.memory_space<vmem>>, %arg5: memref<8x16xi32, #tpu.memory_space<vmem>>) attributes {dimension_semantics = [#tpu.dimension_semantics<core_parallel>, #tpu.dimension_semantics<subcore_parallel>], iteration_bounds = array<i64: 2, 16>, scalar_prefetch = 0 : i64, scratch_operands = 2 : i64, tpu.core_type = #tpu.core_type<sc_vector_subcore>, window_params = [{transform_indices = #map}, {transform_indices = #map1}]} {
    %mul3A = arith.constant 2 : i32
    %mul3A_0 = arith.muli %arg1, %mul3A : i32
    %add3A = arith.addi %mul3A_0, %arg0 : i32
    %iota3A = tpu.iota {dimensions = array<i32: 0>} : vector<16xi32>
    %lt3A = arith.constant 8 : i32
    %lt3A_1 = arith.cmpi slt, %add3A, %lt3A : i32
    %convert_element_type3A = arith.extui %lt3A_1 : i1 to i32
    %cond3A = arith.constant 0 : i32
    %cond3A_2 = arith.cmpi ne, %convert_element_type3A, %cond3A : i32
    scf.if %cond3A_2 {
      %run_scoped3A = arith.constant 0 : i32
      "tpu.region"() ({
        %run_scoped3A_90 = tpu.sem_alloc : memref<!tpu.dma_semaphore, #tpu.memory_space<semaphore_mem>>
        %dma_start3A = arith.constant 0 : i32
        %dma_start3A_91 = arith.constant 0 : i32
        %dma_start3A_92 = tpu.memref_slice %arg2[%add3A, %run_scoped3A, %dma_start3A, %dma_start3A_91] : memref<8x1x64x64xf32, #tpu.memory_space<hbm>> -> memref<1x1x64x64xf32, #tpu.memory_space<hbm>>
        %dma_start3A_93 = tpu.memref_squeeze %dma_start3A_92 : memref<1x1x64x64xf32, #tpu.memory_space<hbm>> -> memref<64x64xf32, #tpu.memory_space<hbm>>
        %dma_start3A_94 = arith.constant 0 : i32
        %dma_start3A_95 = arith.constant 0 : i32
        %dma_start3A_96 = tpu.memref_slice %arg2[%add3A, %run_scoped3A, %dma_start3A_94, %dma_start3A_95] : memref<8x1x64x64xf32, #tpu.memory_space<hbm>> -> memref<1x1x64x64xf32, #tpu.memory_space<hbm>>
        %dma_start3A_97 = tpu.memref_squeeze %dma_start3A_96 : memref<1x1x64x64xf32, #tpu.memory_space<hbm>> -> memref<64x64xf32, #tpu.memory_space<hbm>>
        tpu.enqueue_dma source(%dma_start3A_97 : memref<64x64xf32, #tpu.memory_space<hbm>>) target(%arg4 : memref<64x64xf32, #tpu.memory_space<vmem>>) target_semaphore(%run_scoped3A_90 : memref<!tpu.dma_semaphore, #tpu.memory_space<semaphore_mem>>)
        %dma_wait3A = arith.constant 0 : i32
        %dma_wait3A_98 = arith.constant 0 : i32
        %dma_wait3A_99 = tpu.memref_slice %arg2[%add3A, %run_scoped3A, %dma_wait3A, %dma_wait3A_98] : memref<8x1x64x64xf32, #tpu.memory_space<hbm>> -> memref<1x1x64x64xf32, #tpu.memory_space<hbm>>
        %dma_wait3A_100 = tpu.memref_squeeze %dma_wait3A_99 : memref<1x1x64x64xf32, #tpu.memory_space<hbm>> -> memref<64x64xf32, #tpu.memory_space<hbm>>
        %dma_wait3A_101 = arith.constant 0 : i32
        %dma_wait3A_102 = arith.constant 0 : i32
        %dma_wait3A_103 = tpu.memref_slice %arg2[%add3A, %run_scoped3A, %dma_wait3A_101, %dma_wait3A_102] : memref<8x1x64x64xf32, #tpu.memory_space<hbm>> -> memref<1x1x64x64xf32, #tpu.memory_space<hbm>>
        %dma_wait3A_104 = tpu.memref_squeeze %dma_wait3A_103 : memref<1x1x64x64xf32, #tpu.memory_space<hbm>> -> memref<64x64xf32, #tpu.memory_space<hbm>>
        tpu.wait_dma2 semaphore(%run_scoped3A_90 : memref<!tpu.dma_semaphore, #tpu.memory_space<semaphore_mem>>) src(%dma_wait3A_104 : memref<64x64xf32, #tpu.memory_space<hbm>>) dst(%arg4 : memref<64x64xf32, #tpu.memory_space<vmem>>)
        tpu.yield
      }) : () -> ()
      %scan3A = arith.constant -3.400000e+38 : f32
      %scan3A_3 = arith.constant 0 : i32
      %scan3A_4 = arith.constant 0 : i32
      %scan3A_5 = arith.constant 62 : i32
      %scan3A_6 = arith.addi %scan3A_4, %scan3A_5 : i32
      %scan3A_7 = arith.constant 1 : i32
      %scan3A_8:2 = scf.for %scan3A_90 = %scan3A_4 to %scan3A_6 step %scan3A_7 iter_args(%scan3A_91 = %scan3A, %scan3A_92 = %scan3A_3) -> (f32, i32)  : i32 {
        %get3A = arith.index_cast %scan3A_90 : i32 to index
        %get3A_93 = arith.constant 0 : index
        %get3A_94 = tpu.vector_load %arg4[%get3A, %get3A_93] {strides = array<i32>} : memref<64x64xf32, #tpu.memory_space<vmem>>, vector<16xf32>,
        %reduce_max3A = arith.constant true
        %reduce_max3A_95 = vector.broadcast %reduce_max3A : i1 to vector<16xi1>
        %reduce_max3A_96 = tpu.scan <max>, %get3A_94 masked %reduce_max3A_95 : vector<16xf32>, vector<16xi1> -> vector<16xf32>
        %reduce_max3A_97 = vector.extract %reduce_max3A_96[15] : f32 from vector<16xf32>
        %eq3A_98 = vector.broadcast %reduce_max3A_97 : f32 to vector<16xf32>
        %eq3A_99 = arith.cmpf oeq, %get3A_94, %eq3A_98 : vector<16xf32>
        %jit3A_100 = arith.constant 16 : i32
        %broadcast_in_dim3A_101 = vector.broadcast %jit3A_100 : i32 to vector<16xi32>
        %select_n3A_102 = arith.select %eq3A_99, %iota3A, %broadcast_in_dim3A_101 : vector<16xi1>, vector<16xi32>
        %reduce_min3A = arith.constant true
        %reduce_min3A_103 = vector.broadcast %reduce_min3A : i1 to vector<16xi1>
        %reduce_min3A_104 = arith.constant -2147483648 : i32
        %reduce_min3A_105 = vector.broadcast %reduce_min3A_104 : i32 to vector<16xi32>
        %reduce_min3A_106 = arith.xori %select_n3A_102, %reduce_min3A_105 : vector<16xi32>
        %reduce_min3A_107 = tpu.scan <min>, %reduce_min3A_106 masked %reduce_min3A_103 : vector<16xi32>, vector<16xi1> -> vector<16xi32>
        %reduce_min3A_108 = arith.xori %reduce_min3A_107, %reduce_min3A_105 : vector<16xi32>
        %reduce_min3A_109 = vector.extract %reduce_min3A_108[15] : i32 from vector<16xi32>
        %mul3A_110 = arith.constant 62 : i32
        %mul3A_111 = arith.muli %scan3A_90, %mul3A_110 : i32
        %add3A_112 = arith.constant 0 : i32
        %add3A_113 = arith.addi %mul3A_111, %add3A_112 : i32
        %add3A_114 = arith.addi %add3A_113, %reduce_min3A_109 : i32
        %gt3A_115 = arith.cmpf ogt, %reduce_max3A_97, %scan3A_91 : f32
        %select_n3A_116 = arith.select %gt3A_115, %reduce_max3A_97, %scan3A_91 : f32
        %select_n3A_117 = arith.select %gt3A_115, %add3A_114, %scan3A_92 : i32
        %get3A_118 = arith.index_cast %scan3A_90 : i32 to index
        %get3A_119 = arith.constant 16 : index
        %get3A_120 = tpu.vector_load %arg4[%get3A_118, %get3A_119] {strides = array<i32>} : memref<64x64xf32, #tpu.memory_space<vmem>>, vector<16xf32>,
        %reduce_max3A_121 = arith.constant true
        %reduce_max3A_122 = vector.broadcast %reduce_max3A_121 : i1 to vector<16xi1>
        %reduce_max3A_123 = tpu.scan <max>, %get3A_120 masked %reduce_max3A_122 : vector<16xf32>, vector<16xi1> -> vector<16xf32>
        %reduce_max3A_124 = vector.extract %reduce_max3A_123[15] : f32 from vector<16xf32>
        %eq3A_125 = vector.broadcast %reduce_max3A_124 : f32 to vector<16xf32>
        %eq3A_126 = arith.cmpf oeq, %get3A_120, %eq3A_125 : vector<16xf32>
        %jit3A_127 = arith.constant 16 : i32
        %broadcast_in_dim3A_128 = vector.broadcast %jit3A_127 : i32 to vector<16xi32>
        %select_n3A_129 = arith.select %eq3A_126, %iota3A, %broadcast_in_dim3A_128 : vector<16xi1>, vector<16xi32>
        %reduce_min3A_130 = arith.constant true
        %reduce_min3A_131 = vector.broadcast %reduce_min3A_130 : i1 to vector<16xi1>
        %reduce_min3A_132 = arith.constant -2147483648 : i32
        %reduce_min3A_133 = vector.broadcast %reduce_min3A_132 : i32 to vector<16xi32>
        %reduce_min3A_134 = arith.xori %select_n3A_129, %reduce_min3A_133 : vector<16xi32>
        %reduce_min3A_135 = tpu.scan <min>, %reduce_min3A_134 masked %reduce_min3A_131 : vector<16xi32>, vector<16xi1> -> vector<16xi32>
        %reduce_min3A_136 = arith.xori %reduce_min3A_135, %reduce_min3A_133 : vector<16xi32>
        %reduce_min3A_137 = vector.extract %reduce_min3A_136[15] : i32 from vector<16xi32>
        %mul3A_138 = arith.constant 62 : i32
        %mul3A_139 = arith.muli %scan3A_90, %mul3A_138 : i32
        %add3A_140 = arith.constant 16 : i32
        %add3A_141 = arith.addi %mul3A_139, %add3A_140 : i32
        %add3A_142 = arith.addi %add3A_141, %reduce_min3A_137 : i32
        %gt3A_143 = arith.cmpf ogt, %reduce_max3A_124, %select_n3A_116 : f32
        %select_n3A_144 = arith.select %gt3A_143, %reduce_max3A_124, %select_n3A_116 : f32
        %select_n3A_145 = arith.select %gt3A_143, %add3A_142, %select_n3A_117 : i32
        %get3A_146 = arith.index_cast %scan3A_90 : i32 to index
        %get3A_147 = arith.constant 32 : index
        %get3A_148 = tpu.vector_load %arg4[%get3A_146, %get3A_147] {strides = array<i32>} : memref<64x64xf32, #tpu.memory_space<vmem>>, vector<16xf32>,
        %reduce_max3A_149 = arith.constant true
        %reduce_max3A_150 = vector.broadcast %reduce_max3A_149 : i1 to vector<16xi1>
        %reduce_max3A_151 = tpu.scan <max>, %get3A_148 masked %reduce_max3A_150 : vector<16xf32>, vector<16xi1> -> vector<16xf32>
        %reduce_max3A_152 = vector.extract %reduce_max3A_151[15] : f32 from vector<16xf32>
        %eq3A_153 = vector.broadcast %reduce_max3A_152 : f32 to vector<16xf32>
        %eq3A_154 = arith.cmpf oeq, %get3A_148, %eq3A_153 : vector<16xf32>
        %jit3A_155 = arith.constant 16 : i32
        %broadcast_in_dim3A_156 = vector.broadcast %jit3A_155 : i32 to vector<16xi32>
        %select_n3A_157 = arith.select %eq3A_154, %iota3A, %broadcast_in_dim3A_156 : vector<16xi1>, vector<16xi32>
        %reduce_min3A_158 = arith.constant true
        %reduce_min3A_159 = vector.broadcast %reduce_min3A_158 : i1 to vector<16xi1>
        %reduce_min3A_160 = arith.constant -2147483648 : i32
        %reduce_min3A_161 = vector.broadcast %reduce_min3A_160 : i32 to vector<16xi32>
        %reduce_min3A_162 = arith.xori %select_n3A_157, %reduce_min3A_161 : vector<16xi32>
        %reduce_min3A_163 = tpu.scan <min>, %reduce_min3A_162 masked %reduce_min3A_159 : vector<16xi32>, vector<16xi1> -> vector<16xi32>
        %reduce_min3A_164 = arith.xori %reduce_min3A_163, %reduce_min3A_161 : vector<16xi32>
        %reduce_min3A_165 = vector.extract %reduce_min3A_164[15] : i32 from vector<16xi32>
        %mul3A_166 = arith.constant 62 : i32
        %mul3A_167 = arith.muli %scan3A_90, %mul3A_166 : i32
        %add3A_168 = arith.constant 32 : i32
        %add3A_169 = arith.addi %mul3A_167, %add3A_168 : i32
        %add3A_170 = arith.addi %add3A_169, %reduce_min3A_165 : i32
        %gt3A_171 = arith.cmpf ogt, %reduce_max3A_152, %select_n3A_144 : f32
        %select_n3A_172 = arith.select %gt3A_171, %reduce_max3A_152, %select_n3A_144 : f32
        %select_n3A_173 = arith.select %gt3A_171, %add3A_170, %select_n3A_145 : i32
        %get3A_174 = arith.index_cast %scan3A_90 : i32 to index
        %get3A_175 = arith.constant 48 : index
        %get3A_176 = tpu.vector_load %arg4[%get3A_174, %get3A_175] {strides = array<i32>} : memref<64x64xf32, #tpu.memory_space<vmem>>, vector<16xf32>,
        %lt3A_177 = arith.constant 14 : i32
        %lt3A_178 = vector.broadcast %lt3A_177 : i32 to vector<16xi32>
        %lt3A_179 = arith.cmpi slt, %iota3A, %lt3A_178 : vector<16xi32>
        %jit3A_180 = arith.constant -3.400000e+38 : f32
        %broadcast_in_dim3A_181 = vector.broadcast %jit3A_180 : f32 to vector<16xf32>
        %select_n3A_182 = arith.select %lt3A_179, %get3A_176, %broadcast_in_dim3A_181 : vector<16xi1>, vector<16xf32>
        %reduce_max3A_183 = arith.constant true
        %reduce_max3A_184 = vector.broadcast %reduce_max3A_183 : i1 to vector<16xi1>
        %reduce_max3A_185 = tpu.scan <max>, %select_n3A_182 masked %reduce_max3A_184 : vector<16xf32>, vector<16xi1> -> vector<16xf32>
        %reduce_max3A_186 = vector.extract %reduce_max3A_185[15] : f32 from vector<16xf32>
        %eq3A_187 = vector.broadcast %reduce_max3A_186 : f32 to vector<16xf32>
        %eq3A_188 = arith.cmpf oeq, %select_n3A_182, %eq3A_187 : vector<16xf32>
        %jit3A_189 = arith.constant 16 : i32
        %broadcast_in_dim3A_190 = vector.broadcast %jit3A_189 : i32 to vector<16xi32>
        %select_n3A_191 = arith.select %eq3A_188, %iota3A, %broadcast_in_dim3A_190 : vector<16xi1>, vector<16xi32>
        %reduce_min3A_192 = arith.constant true
        %reduce_min3A_193 = vector.broadcast %reduce_min3A_192 : i1 to vector<16xi1>
        %reduce_min3A_194 = arith.constant -2147483648 : i32
        %reduce_min3A_195 = vector.broadcast %reduce_min3A_194 : i32 to vector<16xi32>
        %reduce_min3A_196 = arith.xori %select_n3A_191, %reduce_min3A_195 : vector<16xi32>
        %reduce_min3A_197 = tpu.scan <min>, %reduce_min3A_196 masked %reduce_min3A_193 : vector<16xi32>, vector<16xi1> -> vector<16xi32>
        %reduce_min3A_198 = arith.xori %reduce_min3A_197, %reduce_min3A_195 : vector<16xi32>
        %reduce_min3A_199 = vector.extract %reduce_min3A_198[15] : i32 from vector<16xi32>
        %mul3A_200 = arith.constant 62 : i32
        %mul3A_201 = arith.muli %scan3A_90, %mul3A_200 : i32
        %add3A_202 = arith.constant 48 : i32
        %add3A_203 = arith.addi %mul3A_201, %add3A_202 : i32
        %add3A_204 = arith.addi %add3A_203, %reduce_min3A_199 : i32
        %gt3A_205 = arith.cmpf ogt, %reduce_max3A_186, %select_n3A_172 : f32
        %select_n3A_206 = arith.select %gt3A_205, %reduce_max3A_186, %select_n3A_172 : f32
        %select_n3A_207 = arith.select %gt3A_205, %add3A_204, %select_n3A_173 : i32
        scf.yield %select_n3A_206, %select_n3A_207 : f32, i32
      }
      %scan3A_9 = arith.constant 62 : i32
      %gt3A = arith.constant 0.000000e+00 : f32
      %gt3A_10 = arith.cmpf ogt, %scan3A_8#0, %gt3A : f32
      %jit3A = arith.constant 62 : i32
      %div3A = arith.divsi %scan3A_8#1, %jit3A : i32
      %sign3A = arith.constant 0 : i32
      %sign3A_11 = arith.cmpi sgt, %scan3A_8#1, %sign3A : i32
      %sign3A_12 = arith.extui %sign3A_11 : i1 to i32
      %sign3A_13 = arith.constant 0 : i32
      %sign3A_14 = arith.cmpi slt, %scan3A_8#1, %sign3A_13 : i32
      %sign3A_15 = arith.extui %sign3A_14 : i1 to i32
      %sign3A_16 = arith.subi %sign3A_12, %sign3A_15 : i32
      %sign3A_17 = arith.constant 0 : i32
      %sign3A_18 = arith.cmpi sgt, %jit3A, %sign3A_17 : i32
      %sign3A_19 = arith.extui %sign3A_18 : i1 to i32
      %sign3A_20 = arith.constant 0 : i32
      %sign3A_21 = arith.cmpi slt, %jit3A, %sign3A_20 : i32
      %sign3A_22 = arith.extui %sign3A_21 : i1 to i32
      %sign3A_23 = arith.subi %sign3A_19, %sign3A_22 : i32
      %ne3A = arith.cmpi ne, %sign3A_16, %sign3A_23 : i32
      %rem3A = arith.remsi %scan3A_8#1, %jit3A : i32
      %ne3A_24 = arith.constant 0 : i32
      %ne3A_25 = arith.cmpi ne, %rem3A, %ne3A_24 : i32
      %and3A = arith.andi %ne3A, %ne3A_25 : i1
      %sub3A = arith.constant 1 : i32
      %sub3A_26 = arith.subi %div3A, %sub3A : i32
      %select_n3A = arith.select %and3A, %sub3A_26, %div3A : i32
      %jit3A_27 = arith.constant 0 : i32
      %select_n3A_28 = arith.select %gt3A_10, %select_n3A, %jit3A_27 : i32
      %mul3A_29 = arith.constant 6 : i32
      %mul3A_30 = arith.muli %select_n3A_28, %mul3A_29 : i32
      %add3A_31 = arith.constant 70 : i32
      %add3A_32 = arith.addi %mul3A_30, %add3A_31 : i32
      %jit3A_33 = arith.constant 62 : i32
      %eq3A = arith.constant 0 : i32
      %eq3A_34 = arith.cmpi eq, %jit3A_33, %eq3A : i32
      %jit3A_35 = arith.constant 1 : i32
      %select_n3A_36 = arith.select %eq3A_34, %jit3A_35, %jit3A_33 : i32
      %rem3A_37 = arith.remsi %scan3A_8#1, %select_n3A_36 : i32
      %ne3A_38 = arith.constant 0 : i32
      %ne3A_39 = arith.cmpi ne, %rem3A_37, %ne3A_38 : i32
      %lt3A_40 = arith.constant 0 : i32
      %lt3A_41 = arith.cmpi slt, %rem3A_37, %lt3A_40 : i32
      %lt3A_42 = arith.constant 0 : i32
      %lt3A_43 = arith.cmpi slt, %select_n3A_36, %lt3A_42 : i32
      %ne3A_44 = arith.xori %lt3A_41, %lt3A_43 : i1
      %and3A_45 = arith.andi %ne3A_44, %ne3A_39 : i1
      %add3A_46 = arith.addi %rem3A_37, %select_n3A_36 : i32
      %select_n3A_47 = arith.select %and3A_45, %add3A_46, %rem3A_37 : i32
      %jit3A_48 = arith.constant 0 : i32
      %select_n3A_49 = arith.select %gt3A_10, %select_n3A_47, %jit3A_48 : i32
      %mul3A_50 = arith.constant 6 : i32
      %mul3A_51 = arith.muli %select_n3A_49, %mul3A_50 : i32
      %add3A_52 = arith.constant 70 : i32
      %add3A_53 = arith.addi %mul3A_51, %add3A_52 : i32
      %lt3A_54 = arith.constant 8 : i32
      %lt3A_55 = vector.broadcast %lt3A_54 : i32 to vector<16xi32>
      %lt3A_56 = arith.cmpi slt, %iota3A, %lt3A_55 : vector<16xi32>
      %broadcast_in_dim3A = vector.broadcast %add3A_32 : i32 to vector<16xi32>
      %broadcast_in_dim3A_57 = vector.broadcast %add3A_53 : i32 to vector<16xi32>
      %select_n3A_58 = arith.select %lt3A_56, %broadcast_in_dim3A, %broadcast_in_dim3A_57 : vector<16xi1>, vector<16xi32>
      %swap3A = arith.constant 0 : i32
      %swap3A_59 = arith.index_cast %swap3A : i32 to index
      %swap3A_60 = arith.constant 0 : index
      %swap3A_61 = tpu.vector_load %arg5[%swap3A_59, %swap3A_60] {strides = array<i32>} : memref<8x16xi32, #tpu.memory_space<vmem>>, vector<16xi32>,
      tpu.vector_store %arg5[%swap3A_59, %swap3A_60], %select_n3A_58 {strides = array<i32>} : memref<8x16xi32, #tpu.memory_space<vmem>>, vector<16xi32>,
      %swap3A_62 = arith.constant 1 : i32
      %swap3A_63 = arith.index_cast %swap3A_62 : i32 to index
      %swap3A_64 = arith.constant 0 : index
      %swap3A_65 = tpu.vector_load %arg5[%swap3A_63, %swap3A_64] {strides = array<i32>} : memref<8x16xi32, #tpu.memory_space<vmem>>, vector<16xi32>,
      tpu.vector_store %arg5[%swap3A_63, %swap3A_64], %select_n3A_58 {strides = array<i32>} : memref<8x16xi32, #tpu.memory_space<vmem>>, vector<16xi32>,
      %swap3A_66 = arith.constant 2 : i32
      %swap3A_67 = arith.index_cast %swap3A_66 : i32 to index
      %swap3A_68 = arith.constant 0 : index
      %swap3A_69 = tpu.vector_load %arg5[%swap3A_67, %swap3A_68] {strides = array<i32>} : memref<8x16xi32, #tpu.memory_space<vmem>>, vector<16xi32>,
      tpu.vector_store %arg5[%swap3A_67, %swap3A_68], %select_n3A_58 {strides = array<i32>} : memref<8x16xi32, #tpu.memory_space<vmem>>, vector<16xi32>,
      %swap3A_70 = arith.constant 3 : i32
      %swap3A_71 = arith.index_cast %swap3A_70 : i32 to index
      %swap3A_72 = arith.constant 0 : index
      %swap3A_73 = tpu.vector_load %arg5[%swap3A_71, %swap3A_72] {strides = array<i32>} : memref<8x16xi32, #tpu.memory_space<vmem>>, vector<16xi32>,
      tpu.vector_store %arg5[%swap3A_71, %swap3A_72], %select_n3A_58 {strides = array<i32>} : memref<8x16xi32, #tpu.memory_space<vmem>>, vector<16xi32>,
      %swap3A_74 = arith.constant 4 : i32
      %swap3A_75 = arith.index_cast %swap3A_74 : i32 to index
      %swap3A_76 = arith.constant 0 : index
      %swap3A_77 = tpu.vector_load %arg5[%swap3A_75, %swap3A_76] {strides = array<i32>} : memref<8x16xi32, #tpu.memory_space<vmem>>, vector<16xi32>,
      tpu.vector_store %arg5[%swap3A_75, %swap3A_76], %select_n3A_58 {strides = array<i32>} : memref<8x16xi32, #tpu.memory_space<vmem>>, vector<16xi32>,
      %swap3A_78 = arith.constant 5 : i32
      %swap3A_79 = arith.index_cast %swap3A_78 : i32 to index
      %swap3A_80 = arith.constant 0 : index
      %swap3A_81 = tpu.vector_load %arg5[%swap3A_79, %swap3A_80] {strides = array<i32>} : memref<8x16xi32, #tpu.memory_space<vmem>>, vector<16xi32>,
      tpu.vector_store %arg5[%swap3A_79, %swap3A_80], %select_n3A_58 {strides = array<i32>} : memref<8x16xi32, #tpu.memory_space<vmem>>, vector<16xi32>,
      %swap3A_82 = arith.constant 6 : i32
      %swap3A_83 = arith.index_cast %swap3A_82 : i32 to index
      %swap3A_84 = arith.constant 0 : index
      %swap3A_85 = tpu.vector_load %arg5[%swap3A_83, %swap3A_84] {strides = array<i32>} : memref<8x16xi32, #tpu.memory_space<vmem>>, vector<16xi32>,
      tpu.vector_store %arg5[%swap3A_83, %swap3A_84], %select_n3A_58 {strides = array<i32>} : memref<8x16xi32, #tpu.memory_space<vmem>>, vector<16xi32>,
      %swap3A_86 = arith.constant 7 : i32
      %swap3A_87 = arith.index_cast %swap3A_86 : i32 to index
      %swap3A_88 = arith.constant 0 : index
      %swap3A_89 = tpu.vector_load %arg5[%swap3A_87, %swap3A_88] {strides = array<i32>} : memref<8x16xi32, #tpu.memory_space<vmem>>, vector<16xi32>,
      tpu.vector_store %arg5[%swap3A_87, %swap3A_88], %select_n3A_58 {strides = array<i32>} : memref<8x16xi32, #tpu.memory_space<vmem>>, vector<16xi32>,
      "tpu.region"() ({
        %run_scoped3A_90 = tpu.sem_alloc : memref<!tpu.dma_semaphore, #tpu.memory_space<semaphore_mem>>
        %dma_start3A = arith.constant 0 : i32
        %dma_start3A_91 = arith.constant 0 : i32
        %dma_start3A_92 = tpu.memref_slice %arg3[%add3A, %dma_start3A, %dma_start3A_91] : memref<8x8x16xi32, #tpu.memory_space<hbm>> -> memref<1x8x16xi32, #tpu.memory_space<hbm>>
        %dma_start3A_93 = tpu.memref_squeeze %dma_start3A_92 : memref<1x8x16xi32, #tpu.memory_space<hbm>> -> memref<8x16xi32, #tpu.memory_space<hbm>>
        %dma_start3A_94 = arith.constant 0 : i32
        %dma_start3A_95 = arith.constant 0 : i32
        %dma_start3A_96 = tpu.memref_slice %arg3[%add3A, %dma_start3A_94, %dma_start3A_95] : memref<8x8x16xi32, #tpu.memory_space<hbm>> -> memref<1x8x16xi32, #tpu.memory_space<hbm>>
        %dma_start3A_97 = tpu.memref_squeeze %dma_start3A_96 : memref<1x8x16xi32, #tpu.memory_space<hbm>> -> memref<8x16xi32, #tpu.memory_space<hbm>>
        tpu.enqueue_dma source(%arg5 : memref<8x16xi32, #tpu.memory_space<vmem>>) target(%dma_start3A_97 : memref<8x16xi32, #tpu.memory_space<hbm>>) target_semaphore(%run_scoped3A_90 : memref<!tpu.dma_semaphore, #tpu.memory_space<semaphore_mem>>)
        %dma_wait3A = arith.constant 0 : i32
        %dma_wait3A_98 = arith.constant 0 : i32
        %dma_wait3A_99 = tpu.memref_slice %arg3[%add3A, %dma_wait3A, %dma_wait3A_98] : memref<8x8x16xi32, #tpu.memory_space<hbm>> -> memref<1x8x16xi32, #tpu.memory_space<hbm>>
        %dma_wait3A_100 = tpu.memref_squeeze %dma_wait3A_99 : memref<1x8x16xi32, #tpu.memory_space<hbm>> -> memref<8x16xi32, #tpu.memory_space<hbm>>
        %dma_wait3A_101 = arith.constant 0 : i32
        %dma_wait3A_102 = arith.constant 0 : i32
        %dma_wait3A_103 = tpu.memref_slice %arg3[%add3A, %dma_wait3A_101, %dma_wait3A_102] : memref<8x8x16xi32, #tpu.memory_space<hbm>> -> memref<1x8x16xi32, #tpu.memory_space<hbm>>
        %dma_wait3A_104 = tpu.memref_squeeze %dma_wait3A_103 : memref<1x8x16xi32, #tpu.memory_space<hbm>> -> memref<8x16xi32, #tpu.memory_space<hbm>>
        tpu.wait_dma2 semaphore(%run_scoped3A_90 : memref<!tpu.dma_semaphore, #tpu.memory_space<semaphore_mem>>) src(%arg5 : memref<8x16xi32, #tpu.memory_space<vmem>>) dst(%dma_wait3A_104 : memref<8x16xi32, #tpu.memory_space<hbm>>)
        tpu.yield
      }) : () -> ()
    } else {
    }
    return
  }
}

module attributes {stable_mosaic.version = 14 : i64} {
  func.func @_tc_crop_body(%arg0: i32, %arg1: i32, %arg2: memref<8x8x16xi32, #tpu.memory_space<smem>>, %arg3: memref<1x1x64x512xf32, #tpu.memory_space<vmem>>, %arg4: memref<1x1x64x512xf32, #tpu.memory_space<vmem>>, %arg5: memref<1x1x64x512xf32, #tpu.memory_space<vmem>>, %arg6: memref<1x1x64x512xf32, #tpu.memory_space<vmem>>, %arg7: memref<1x6x8x512xf32, #tpu.memory_space<vmem>>, %arg8: memref<1x6x8x512xf32, #tpu.memory_space<vmem>>, %arg9: memref<1x1x64x64xf32, #tpu.memory_space<vmem>>, %arg10: memref<1x1x64x64xf32, #tpu.memory_space<vmem>>, %arg11: memref<1x6x8x512xf32, #tpu.memory_space<vmem>>) attributes {dimension_semantics = [#tpu.dimension_semantics<arbitrary>, #tpu.dimension_semantics<arbitrary>], iteration_bounds = array<i64: 8, 3>, scalar_prefetch = 1 : i64, scratch_operands = 0 : i64, tpu.core_type = #tpu.core_type<tc>, window_params = [{transform_indices = @transform_0, window_bounds = array<i64: 1, 1, 64, 512>}, {transform_indices = @transform_1, window_bounds = array<i64: 1, 1, 64, 512>}, {transform_indices = @transform_2, window_bounds = array<i64: 1, 1, 64, 512>}, {transform_indices = @transform_3, window_bounds = array<i64: 1, 1, 64, 512>}, {transform_indices = @transform_4, window_bounds = array<i64: 1, 6, 8, 512>}, {transform_indices = @transform_5, window_bounds = array<i64: 1, 6, 8, 512>}, {transform_indices = @transform_6, window_bounds = array<i64: 1, 1, 64, 64>}, {transform_indices = @transform_7, window_bounds = array<i64: 1, 1, 64, 64>}, {transform_indices = @transform_8, window_bounds = array<i64: 1, 6, 8, 512>}]} {
    %get3A = arith.index_cast %arg0 : i32 to index
    %get3A_0 = arith.constant 0 : index
    %get3A_1 = arith.constant 0 : index
    %get3A_2 = memref.load %arg2[%get3A, %get3A_0, %get3A_1] : memref<8x8x16xi32, #tpu.memory_space<smem>>
    %get3A_3 = arith.index_cast %arg0 : i32 to index
    %get3A_4 = arith.constant 0 : index
    %get3A_5 = arith.constant 8 : index
    %get3A_6 = memref.load %arg2[%get3A_3, %get3A_4, %get3A_5] : memref<8x8x16xi32, #tpu.memory_space<smem>>
    %jit3A = arith.constant 64 : i32
    %div3A = arith.divsi %get3A_2, %jit3A : i32
    %sign3A = arith.constant 0 : i32
    %sign3A_7 = arith.cmpi sgt, %get3A_2, %sign3A : i32
    %sign3A_8 = arith.extui %sign3A_7 : i1 to i32
    %sign3A_9 = arith.constant 0 : i32
    %sign3A_10 = arith.cmpi slt, %get3A_2, %sign3A_9 : i32
    %sign3A_11 = arith.extui %sign3A_10 : i1 to i32
    %sign3A_12 = arith.subi %sign3A_8, %sign3A_11 : i32
    %sign3A_13 = arith.constant 0 : i32
    %sign3A_14 = arith.cmpi sgt, %jit3A, %sign3A_13 : i32
    %sign3A_15 = arith.extui %sign3A_14 : i1 to i32
    %sign3A_16 = arith.constant 0 : i32
    %sign3A_17 = arith.cmpi slt, %jit3A, %sign3A_16 : i32
    %sign3A_18 = arith.extui %sign3A_17 : i1 to i32
    %sign3A_19 = arith.subi %sign3A_15, %sign3A_18 : i32
    %ne3A = arith.cmpi ne, %sign3A_12, %sign3A_19 : i32
    %rem3A = arith.remsi %get3A_2, %jit3A : i32
    %ne3A_20 = arith.constant 0 : i32
    %ne3A_21 = arith.cmpi ne, %rem3A, %ne3A_20 : i32
    %and3A = arith.andi %ne3A, %ne3A_21 : i1
    %sub3A = arith.constant 1 : i32
    %sub3A_22 = arith.subi %div3A, %sub3A : i32
    %select_n3A = arith.select %and3A, %sub3A_22, %div3A : i32
    %mul3A = arith.constant 64 : i32
    %mul3A_23 = arith.muli %select_n3A, %mul3A : i32
    %sub3A_24 = arith.subi %get3A_2, %mul3A_23 : i32
    %get3A_25 = arith.constant 0 : index
    %get3A_26 = arith.constant 0 : index
    %get3A_27 = arith.constant 0 : index
    %get3A_28 = arith.constant 0 : index
    %get3A_29 = vector.load %arg3[%get3A_25, %get3A_26, %get3A_27, %get3A_28] : memref<1x1x64x512xf32, #tpu.memory_space<vmem>>, vector<1x1x64x512xf32>
    %get3A_30 = vector.shape_cast %get3A_29 : vector<1x1x64x512xf32> to vector<64x512xf32>
    %get3A_31 = arith.constant 0 : index
    %get3A_32 = arith.constant 0 : index
    %get3A_33 = arith.constant 0 : index
    %get3A_34 = arith.constant 0 : index
    %get3A_35 = vector.load %arg4[%get3A_31, %get3A_32, %get3A_33, %get3A_34] : memref<1x1x64x512xf32, #tpu.memory_space<vmem>>, vector<1x1x64x512xf32>
    %get3A_36 = vector.shape_cast %get3A_35 : vector<1x1x64x512xf32> to vector<64x512xf32>
    %concatenate3A = tpu.concatenate %get3A_30, %get3A_36 in 0 : vector<64x512xf32>, vector<64x512xf32> -> vector<128x512xf32>
    %sub3A_37 = arith.constant 128 : i32
    %sub3A_38 = arith.subi %sub3A_37, %sub3A_24 : i32
    %rem3A_39 = arith.constant 128 : i32
    %rem3A_40 = arith.remsi %sub3A_38, %rem3A_39 : i32
    %roll3A = tpu.dynamic_rotate %concatenate3A by %rem3A_40 dim 0 : vector<128x512xf32>, i32 -> vector<128x512xf32>
    %sub3A_41 = arith.constant 512 : i32
    %sub3A_42 = arith.subi %sub3A_41, %get3A_6 : i32
    %roll3A_43 = tpu.dynamic_rotate %roll3A by %sub3A_42 dim 1 : vector<128x512xf32>, i32 -> vector<128x512xf32>
    %slice3A = vector.extract_strided_slice %roll3A_43 {offsets = [0, 0], sizes = [64, 64], strides = [1, 1]} : vector<128x512xf32> to vector<64x64xf32>
    %swap3A = arith.constant 0 : index
    %swap3A_44 = arith.constant 0 : index
    %swap3A_45 = arith.constant 0 : index
    %swap3A_46 = arith.constant 0 : index
    %swap3A_47 = vector.load %arg9[%swap3A, %swap3A_44, %swap3A_45, %swap3A_46] : memref<1x1x64x64xf32, #tpu.memory_space<vmem>>, vector<1x1x64x64xf32>
    %swap3A_48 = vector.shape_cast %swap3A_47 : vector<1x1x64x64xf32> to vector<64x64xf32>
    %swap3A_49 = vector.shape_cast %slice3A : vector<64x64xf32> to vector<1x1x64x64xf32>
    tpu.vector_store %arg9[%swap3A, %swap3A_44, %swap3A_45, %swap3A_46], %swap3A_49 {strides = array<i32>} : memref<1x1x64x64xf32, #tpu.memory_space<vmem>>, vector<1x1x64x64xf32>,
    %get3A_50 = arith.constant 0 : index
    %get3A_51 = arith.constant 0 : index
    %get3A_52 = arith.constant 0 : index
    %get3A_53 = arith.constant 0 : index
    %get3A_54 = vector.load %arg5[%get3A_50, %get3A_51, %get3A_52, %get3A_53] : memref<1x1x64x512xf32, #tpu.memory_space<vmem>>, vector<1x1x64x512xf32>
    %get3A_55 = vector.shape_cast %get3A_54 : vector<1x1x64x512xf32> to vector<64x512xf32>
    %get3A_56 = arith.constant 0 : index
    %get3A_57 = arith.constant 0 : index
    %get3A_58 = arith.constant 0 : index
    %get3A_59 = arith.constant 0 : index
    %get3A_60 = vector.load %arg6[%get3A_56, %get3A_57, %get3A_58, %get3A_59] : memref<1x1x64x512xf32, #tpu.memory_space<vmem>>, vector<1x1x64x512xf32>
    %get3A_61 = vector.shape_cast %get3A_60 : vector<1x1x64x512xf32> to vector<64x512xf32>
    %concatenate3A_62 = tpu.concatenate %get3A_55, %get3A_61 in 0 : vector<64x512xf32>, vector<64x512xf32> -> vector<128x512xf32>
    %sub3A_63 = arith.constant 128 : i32
    %sub3A_64 = arith.subi %sub3A_63, %sub3A_24 : i32
    %rem3A_65 = arith.constant 128 : i32
    %rem3A_66 = arith.remsi %sub3A_64, %rem3A_65 : i32
    %roll3A_67 = tpu.dynamic_rotate %concatenate3A_62 by %rem3A_66 dim 0 : vector<128x512xf32>, i32 -> vector<128x512xf32>
    %sub3A_68 = arith.constant 512 : i32
    %sub3A_69 = arith.subi %sub3A_68, %get3A_6 : i32
    %roll3A_70 = tpu.dynamic_rotate %roll3A_67 by %sub3A_69 dim 1 : vector<128x512xf32>, i32 -> vector<128x512xf32>
    %slice3A_71 = vector.extract_strided_slice %roll3A_70 {offsets = [0, 0], sizes = [64, 64], strides = [1, 1]} : vector<128x512xf32> to vector<64x64xf32>
    %swap3A_72 = arith.constant 0 : index
    %swap3A_73 = arith.constant 0 : index
    %swap3A_74 = arith.constant 0 : index
    %swap3A_75 = arith.constant 0 : index
    %swap3A_76 = vector.load %arg10[%swap3A_72, %swap3A_73, %swap3A_74, %swap3A_75] : memref<1x1x64x64xf32, #tpu.memory_space<vmem>>, vector<1x1x64x64xf32>
    %swap3A_77 = vector.shape_cast %swap3A_76 : vector<1x1x64x64xf32> to vector<64x64xf32>
    %swap3A_78 = vector.shape_cast %slice3A_71 : vector<64x64xf32> to vector<1x1x64x64xf32>
    tpu.vector_store %arg10[%swap3A_72, %swap3A_73, %swap3A_74, %swap3A_75], %swap3A_78 {strides = array<i32>} : memref<1x1x64x64xf32, #tpu.memory_space<vmem>>, vector<1x1x64x64xf32>,
    %eq3A = arith.constant 0 : i32
    %eq3A_79 = arith.cmpi eq, %arg1, %eq3A : i32
    %convert_element_type3A = arith.extui %eq3A_79 : i1 to i32
    %cond3A = arith.constant 0 : i32
    %cond3A_80 = arith.cmpi ne, %convert_element_type3A, %cond3A : i32
    scf.if %cond3A_80 {
      %jit3A_81 = arith.constant 8 : i32
      %div3A_82 = arith.divsi %get3A_2, %jit3A_81 : i32
      %sign3A_83 = arith.constant 0 : i32
      %sign3A_84 = arith.cmpi sgt, %get3A_2, %sign3A_83 : i32
      %sign3A_85 = arith.extui %sign3A_84 : i1 to i32
      %sign3A_86 = arith.constant 0 : i32
      %sign3A_87 = arith.cmpi slt, %get3A_2, %sign3A_86 : i32
      %sign3A_88 = arith.extui %sign3A_87 : i1 to i32
      %sign3A_89 = arith.subi %sign3A_85, %sign3A_88 : i32
      %sign3A_90 = arith.constant 0 : i32
      %sign3A_91 = arith.cmpi sgt, %jit3A_81, %sign3A_90 : i32
      %sign3A_92 = arith.extui %sign3A_91 : i1 to i32
      %sign3A_93 = arith.constant 0 : i32
      %sign3A_94 = arith.cmpi slt, %jit3A_81, %sign3A_93 : i32
      %sign3A_95 = arith.extui %sign3A_94 : i1 to i32
      %sign3A_96 = arith.subi %sign3A_92, %sign3A_95 : i32
      %ne3A_97 = arith.cmpi ne, %sign3A_89, %sign3A_96 : i32
      %rem3A_98 = arith.remsi %get3A_2, %jit3A_81 : i32
      %ne3A_99 = arith.constant 0 : i32
      %ne3A_100 = arith.cmpi ne, %rem3A_98, %ne3A_99 : i32
      %and3A_101 = arith.andi %ne3A_97, %ne3A_100 : i1
      %sub3A_102 = arith.constant 1 : i32
      %sub3A_103 = arith.subi %div3A_82, %sub3A_102 : i32
      %select_n3A_104 = arith.select %and3A_101, %sub3A_103, %div3A_82 : i32
      %mul3A_105 = arith.constant 8 : i32
      %mul3A_106 = arith.muli %select_n3A_104, %mul3A_105 : i32
      %sub3A_107 = arith.subi %get3A_2, %mul3A_106 : i32
      %iota3A = tpu.iota {dimensions = array<i32: 2>} : vector<1x6x8x512xi32>
      %iota3A_108 = tpu.iota {dimensions = array<i32: 3>} : vector<1x6x8x512xi32>
      %eq3A_109 = vector.broadcast %sub3A_107 : i32 to vector<1x6x8x512xi32>
      %eq3A_110 = arith.cmpi eq, %iota3A, %eq3A_109 : vector<1x6x8x512xi32>
      %eq3A_111 = vector.broadcast %get3A_6 : i32 to vector<1x6x8x512xi32>
      %eq3A_112 = arith.cmpi eq, %iota3A_108, %eq3A_111 : vector<1x6x8x512xi32>
      %and3A_113 = arith.andi %eq3A_110, %eq3A_112 : vector<1x6x8x512xi1>
      %get3A_114 = arith.constant 0 : index
      %get3A_115 = arith.constant 0 : index
      %get3A_116 = arith.constant 0 : index
      %get3A_117 = arith.constant 0 : index
      %get3A_118 = vector.load %arg8[%get3A_114, %get3A_115, %get3A_116, %get3A_117] : memref<1x6x8x512xf32, #tpu.memory_space<vmem>>, vector<1x6x8x512xf32>
      %get3A_119 = arith.constant 0 : index
      %get3A_120 = arith.constant 0 : index
      %get3A_121 = arith.constant 0 : index
      %get3A_122 = arith.constant 0 : index
      %get3A_123 = vector.load %arg7[%get3A_119, %get3A_120, %get3A_121, %get3A_122] : memref<1x6x8x512xf32, #tpu.memory_space<vmem>>, vector<1x6x8x512xf32>
      %select_n3A_124 = arith.select %and3A_113, %get3A_118, %get3A_123 : vector<1x6x8x512xi1>, vector<1x6x8x512xf32>
      %swap3A_125 = arith.constant 0 : index
      %swap3A_126 = arith.constant 0 : index
      %swap3A_127 = arith.constant 0 : index
      %swap3A_128 = arith.constant 0 : index
      %swap3A_129 = vector.load %arg11[%swap3A_125, %swap3A_126, %swap3A_127, %swap3A_128] : memref<1x6x8x512xf32, #tpu.memory_space<vmem>>, vector<1x6x8x512xf32>
      tpu.vector_store %arg11[%swap3A_125, %swap3A_126, %swap3A_127, %swap3A_128], %select_n3A_124 {strides = array<i32>} : memref<1x6x8x512xf32, #tpu.memory_space<vmem>>, vector<1x6x8x512xf32>,
    } else {
    }
    return
  }
  func.func @transform_0(%arg0: i32, %arg1: i32, %arg2: memref<8x8x16xi32, #tpu.memory_space<smem>>) -> (i32, i32, i32, i32) {
    %get3A = arith.index_cast %arg0 : i32 to index
    %get3A_0 = arith.constant 0 : index
    %get3A_1 = arith.constant 0 : index
    %get3A_2 = memref.load %arg2[%get3A, %get3A_0, %get3A_1] : memref<8x8x16xi32, #tpu.memory_space<smem>>
    %jit3A = arith.constant 64 : i32
    %div3A = arith.divsi %get3A_2, %jit3A : i32
    %sign3A = arith.constant 0 : i32
    %sign3A_3 = arith.cmpi sgt, %get3A_2, %sign3A : i32
    %sign3A_4 = arith.extui %sign3A_3 : i1 to i32
    %sign3A_5 = arith.constant 0 : i32
    %sign3A_6 = arith.cmpi slt, %get3A_2, %sign3A_5 : i32
    %sign3A_7 = arith.extui %sign3A_6 : i1 to i32
    %sign3A_8 = arith.subi %sign3A_4, %sign3A_7 : i32
    %sign3A_9 = arith.constant 0 : i32
    %sign3A_10 = arith.cmpi sgt, %jit3A, %sign3A_9 : i32
    %sign3A_11 = arith.extui %sign3A_10 : i1 to i32
    %sign3A_12 = arith.constant 0 : i32
    %sign3A_13 = arith.cmpi slt, %jit3A, %sign3A_12 : i32
    %sign3A_14 = arith.extui %sign3A_13 : i1 to i32
    %sign3A_15 = arith.subi %sign3A_11, %sign3A_14 : i32
    %ne3A = arith.cmpi ne, %sign3A_8, %sign3A_15 : i32
    %rem3A = arith.remsi %get3A_2, %jit3A : i32
    %ne3A_16 = arith.constant 0 : i32
    %ne3A_17 = arith.cmpi ne, %rem3A, %ne3A_16 : i32
    %and3A = arith.andi %ne3A, %ne3A_17 : i1
    %sub3A = arith.constant 1 : i32
    %sub3A_18 = arith.subi %div3A, %sub3A : i32
    %select_n3A = arith.select %and3A, %sub3A_18, %div3A : i32
    %c0_i32 = arith.constant 0 : i32
    %c0_i32_19 = arith.constant 0 : i32
    return %arg0, %arg1, %select_n3A, %c0_i32 : i32, i32, i32, i32
  }
  func.func @transform_1(%arg0: i32, %arg1: i32, %arg2: memref<8x8x16xi32, #tpu.memory_space<smem>>) -> (i32, i32, i32, i32) {
    %get3A = arith.index_cast %arg0 : i32 to index
    %get3A_0 = arith.constant 0 : index
    %get3A_1 = arith.constant 0 : index
    %get3A_2 = memref.load %arg2[%get3A, %get3A_0, %get3A_1] : memref<8x8x16xi32, #tpu.memory_space<smem>>
    %jit3A = arith.constant 64 : i32
    %div3A = arith.divsi %get3A_2, %jit3A : i32
    %sign3A = arith.constant 0 : i32
    %sign3A_3 = arith.cmpi sgt, %get3A_2, %sign3A : i32
    %sign3A_4 = arith.extui %sign3A_3 : i1 to i32
    %sign3A_5 = arith.constant 0 : i32
    %sign3A_6 = arith.cmpi slt, %get3A_2, %sign3A_5 : i32
    %sign3A_7 = arith.extui %sign3A_6 : i1 to i32
    %sign3A_8 = arith.subi %sign3A_4, %sign3A_7 : i32
    %sign3A_9 = arith.constant 0 : i32
    %sign3A_10 = arith.cmpi sgt, %jit3A, %sign3A_9 : i32
    %sign3A_11 = arith.extui %sign3A_10 : i1 to i32
    %sign3A_12 = arith.constant 0 : i32
    %sign3A_13 = arith.cmpi slt, %jit3A, %sign3A_12 : i32
    %sign3A_14 = arith.extui %sign3A_13 : i1 to i32
    %sign3A_15 = arith.subi %sign3A_11, %sign3A_14 : i32
    %ne3A = arith.cmpi ne, %sign3A_8, %sign3A_15 : i32
    %rem3A = arith.remsi %get3A_2, %jit3A : i32
    %ne3A_16 = arith.constant 0 : i32
    %ne3A_17 = arith.cmpi ne, %rem3A, %ne3A_16 : i32
    %and3A = arith.andi %ne3A, %ne3A_17 : i1
    %sub3A = arith.constant 1 : i32
    %sub3A_18 = arith.subi %div3A, %sub3A : i32
    %select_n3A = arith.select %and3A, %sub3A_18, %div3A : i32
    %add3A = arith.constant 1 : i32
    %add3A_19 = arith.addi %select_n3A, %add3A : i32
    %min3A = arith.constant 7 : i32
    %min3A_20 = arith.minsi %add3A_19, %min3A : i32
    %c0_i32 = arith.constant 0 : i32
    %c0_i32_21 = arith.constant 0 : i32
    return %arg0, %arg1, %min3A_20, %c0_i32 : i32, i32, i32, i32
  }
  func.func @transform_2(%arg0: i32, %arg1: i32, %arg2: memref<8x8x16xi32, #tpu.memory_space<smem>>) -> (i32, i32, i32, i32) {
    %get3A = arith.index_cast %arg0 : i32 to index
    %get3A_0 = arith.constant 0 : index
    %get3A_1 = arith.constant 0 : index
    %get3A_2 = memref.load %arg2[%get3A, %get3A_0, %get3A_1] : memref<8x8x16xi32, #tpu.memory_space<smem>>
    %jit3A = arith.constant 64 : i32
    %div3A = arith.divsi %get3A_2, %jit3A : i32
    %sign3A = arith.constant 0 : i32
    %sign3A_3 = arith.cmpi sgt, %get3A_2, %sign3A : i32
    %sign3A_4 = arith.extui %sign3A_3 : i1 to i32
    %sign3A_5 = arith.constant 0 : i32
    %sign3A_6 = arith.cmpi slt, %get3A_2, %sign3A_5 : i32
    %sign3A_7 = arith.extui %sign3A_6 : i1 to i32
    %sign3A_8 = arith.subi %sign3A_4, %sign3A_7 : i32
    %sign3A_9 = arith.constant 0 : i32
    %sign3A_10 = arith.cmpi sgt, %jit3A, %sign3A_9 : i32
    %sign3A_11 = arith.extui %sign3A_10 : i1 to i32
    %sign3A_12 = arith.constant 0 : i32
    %sign3A_13 = arith.cmpi slt, %jit3A, %sign3A_12 : i32
    %sign3A_14 = arith.extui %sign3A_13 : i1 to i32
    %sign3A_15 = arith.subi %sign3A_11, %sign3A_14 : i32
    %ne3A = arith.cmpi ne, %sign3A_8, %sign3A_15 : i32
    %rem3A = arith.remsi %get3A_2, %jit3A : i32
    %ne3A_16 = arith.constant 0 : i32
    %ne3A_17 = arith.cmpi ne, %rem3A, %ne3A_16 : i32
    %and3A = arith.andi %ne3A, %ne3A_17 : i1
    %sub3A = arith.constant 1 : i32
    %sub3A_18 = arith.subi %div3A, %sub3A : i32
    %select_n3A = arith.select %and3A, %sub3A_18, %div3A : i32
    %c0_i32 = arith.constant 0 : i32
    %c0_i32_19 = arith.constant 0 : i32
    return %arg0, %arg1, %select_n3A, %c0_i32 : i32, i32, i32, i32
  }
  func.func @transform_3(%arg0: i32, %arg1: i32, %arg2: memref<8x8x16xi32, #tpu.memory_space<smem>>) -> (i32, i32, i32, i32) {
    %get3A = arith.index_cast %arg0 : i32 to index
    %get3A_0 = arith.constant 0 : index
    %get3A_1 = arith.constant 0 : index
    %get3A_2 = memref.load %arg2[%get3A, %get3A_0, %get3A_1] : memref<8x8x16xi32, #tpu.memory_space<smem>>
    %jit3A = arith.constant 64 : i32
    %div3A = arith.divsi %get3A_2, %jit3A : i32
    %sign3A = arith.constant 0 : i32
    %sign3A_3 = arith.cmpi sgt, %get3A_2, %sign3A : i32
    %sign3A_4 = arith.extui %sign3A_3 : i1 to i32
    %sign3A_5 = arith.constant 0 : i32
    %sign3A_6 = arith.cmpi slt, %get3A_2, %sign3A_5 : i32
    %sign3A_7 = arith.extui %sign3A_6 : i1 to i32
    %sign3A_8 = arith.subi %sign3A_4, %sign3A_7 : i32
    %sign3A_9 = arith.constant 0 : i32
    %sign3A_10 = arith.cmpi sgt, %jit3A, %sign3A_9 : i32
    %sign3A_11 = arith.extui %sign3A_10 : i1 to i32
    %sign3A_12 = arith.constant 0 : i32
    %sign3A_13 = arith.cmpi slt, %jit3A, %sign3A_12 : i32
    %sign3A_14 = arith.extui %sign3A_13 : i1 to i32
    %sign3A_15 = arith.subi %sign3A_11, %sign3A_14 : i32
    %ne3A = arith.cmpi ne, %sign3A_8, %sign3A_15 : i32
    %rem3A = arith.remsi %get3A_2, %jit3A : i32
    %ne3A_16 = arith.constant 0 : i32
    %ne3A_17 = arith.cmpi ne, %rem3A, %ne3A_16 : i32
    %and3A = arith.andi %ne3A, %ne3A_17 : i1
    %sub3A = arith.constant 1 : i32
    %sub3A_18 = arith.subi %div3A, %sub3A : i32
    %select_n3A = arith.select %and3A, %sub3A_18, %div3A : i32
    %add3A = arith.constant 1 : i32
    %add3A_19 = arith.addi %select_n3A, %add3A : i32
    %min3A = arith.constant 7 : i32
    %min3A_20 = arith.minsi %add3A_19, %min3A : i32
    %c0_i32 = arith.constant 0 : i32
    %c0_i32_21 = arith.constant 0 : i32
    return %arg0, %arg1, %min3A_20, %c0_i32 : i32, i32, i32, i32
  }
  func.func @transform_4(%arg0: i32, %arg1: i32, %arg2: memref<8x8x16xi32, #tpu.memory_space<smem>>) -> (i32, i32, i32, i32) {
    %get3A = arith.index_cast %arg0 : i32 to index
    %get3A_0 = arith.constant 0 : index
    %get3A_1 = arith.constant 0 : index
    %get3A_2 = memref.load %arg2[%get3A, %get3A_0, %get3A_1] : memref<8x8x16xi32, #tpu.memory_space<smem>>
    %jit3A = arith.constant 8 : i32
    %div3A = arith.divsi %get3A_2, %jit3A : i32
    %sign3A = arith.constant 0 : i32
    %sign3A_3 = arith.cmpi sgt, %get3A_2, %sign3A : i32
    %sign3A_4 = arith.extui %sign3A_3 : i1 to i32
    %sign3A_5 = arith.constant 0 : i32
    %sign3A_6 = arith.cmpi slt, %get3A_2, %sign3A_5 : i32
    %sign3A_7 = arith.extui %sign3A_6 : i1 to i32
    %sign3A_8 = arith.subi %sign3A_4, %sign3A_7 : i32
    %sign3A_9 = arith.constant 0 : i32
    %sign3A_10 = arith.cmpi sgt, %jit3A, %sign3A_9 : i32
    %sign3A_11 = arith.extui %sign3A_10 : i1 to i32
    %sign3A_12 = arith.constant 0 : i32
    %sign3A_13 = arith.cmpi slt, %jit3A, %sign3A_12 : i32
    %sign3A_14 = arith.extui %sign3A_13 : i1 to i32
    %sign3A_15 = arith.subi %sign3A_11, %sign3A_14 : i32
    %ne3A = arith.cmpi ne, %sign3A_8, %sign3A_15 : i32
    %rem3A = arith.remsi %get3A_2, %jit3A : i32
    %ne3A_16 = arith.constant 0 : i32
    %ne3A_17 = arith.cmpi ne, %rem3A, %ne3A_16 : i32
    %and3A = arith.andi %ne3A, %ne3A_17 : i1
    %sub3A = arith.constant 1 : i32
    %sub3A_18 = arith.subi %div3A, %sub3A : i32
    %select_n3A = arith.select %and3A, %sub3A_18, %div3A : i32
    %c0_i32 = arith.constant 0 : i32
    %c0_i32_19 = arith.constant 0 : i32
    %c0_i32_20 = arith.constant 0 : i32
    return %arg0, %c0_i32, %select_n3A, %c0_i32_19 : i32, i32, i32, i32
  }
  func.func @transform_5(%arg0: i32, %arg1: i32, %arg2: memref<8x8x16xi32, #tpu.memory_space<smem>>) -> (i32, i32, i32, i32) {
    %get3A = arith.index_cast %arg0 : i32 to index
    %get3A_0 = arith.constant 0 : index
    %get3A_1 = arith.constant 0 : index
    %get3A_2 = memref.load %arg2[%get3A, %get3A_0, %get3A_1] : memref<8x8x16xi32, #tpu.memory_space<smem>>
    %jit3A = arith.constant 8 : i32
    %div3A = arith.divsi %get3A_2, %jit3A : i32
    %sign3A = arith.constant 0 : i32
    %sign3A_3 = arith.cmpi sgt, %get3A_2, %sign3A : i32
    %sign3A_4 = arith.extui %sign3A_3 : i1 to i32
    %sign3A_5 = arith.constant 0 : i32
    %sign3A_6 = arith.cmpi slt, %get3A_2, %sign3A_5 : i32
    %sign3A_7 = arith.extui %sign3A_6 : i1 to i32
    %sign3A_8 = arith.subi %sign3A_4, %sign3A_7 : i32
    %sign3A_9 = arith.constant 0 : i32
    %sign3A_10 = arith.cmpi sgt, %jit3A, %sign3A_9 : i32
    %sign3A_11 = arith.extui %sign3A_10 : i1 to i32
    %sign3A_12 = arith.constant 0 : i32
    %sign3A_13 = arith.cmpi slt, %jit3A, %sign3A_12 : i32
    %sign3A_14 = arith.extui %sign3A_13 : i1 to i32
    %sign3A_15 = arith.subi %sign3A_11, %sign3A_14 : i32
    %ne3A = arith.cmpi ne, %sign3A_8, %sign3A_15 : i32
    %rem3A = arith.remsi %get3A_2, %jit3A : i32
    %ne3A_16 = arith.constant 0 : i32
    %ne3A_17 = arith.cmpi ne, %rem3A, %ne3A_16 : i32
    %and3A = arith.andi %ne3A, %ne3A_17 : i1
    %sub3A = arith.constant 1 : i32
    %sub3A_18 = arith.subi %div3A, %sub3A : i32
    %select_n3A = arith.select %and3A, %sub3A_18, %div3A : i32
    %c0_i32 = arith.constant 0 : i32
    %c0_i32_19 = arith.constant 0 : i32
    %c0_i32_20 = arith.constant 0 : i32
    return %arg0, %c0_i32, %select_n3A, %c0_i32_19 : i32, i32, i32, i32
  }
  func.func @transform_6(%arg0: i32, %arg1: i32, %arg2: memref<8x8x16xi32, #tpu.memory_space<smem>>) -> (i32, i32, i32, i32) {
    %c0_i32 = arith.constant 0 : i32
    %c0_i32_0 = arith.constant 0 : i32
    %c0_i32_1 = arith.constant 0 : i32
    return %arg0, %arg1, %c0_i32, %c0_i32_0 : i32, i32, i32, i32
  }
  func.func @transform_7(%arg0: i32, %arg1: i32, %arg2: memref<8x8x16xi32, #tpu.memory_space<smem>>) -> (i32, i32, i32, i32) {
    %c0_i32 = arith.constant 0 : i32
    %c0_i32_0 = arith.constant 0 : i32
    %c0_i32_1 = arith.constant 0 : i32
    return %arg0, %arg1, %c0_i32, %c0_i32_0 : i32, i32, i32, i32
  }
  func.func @transform_8(%arg0: i32, %arg1: i32, %arg2: memref<8x8x16xi32, #tpu.memory_space<smem>>) -> (i32, i32, i32, i32) {
    %get3A = arith.index_cast %arg0 : i32 to index
    %get3A_0 = arith.constant 0 : index
    %get3A_1 = arith.constant 0 : index
    %get3A_2 = memref.load %arg2[%get3A, %get3A_0, %get3A_1] : memref<8x8x16xi32, #tpu.memory_space<smem>>
    %jit3A = arith.constant 8 : i32
    %div3A = arith.divsi %get3A_2, %jit3A : i32
    %sign3A = arith.constant 0 : i32
    %sign3A_3 = arith.cmpi sgt, %get3A_2, %sign3A : i32
    %sign3A_4 = arith.extui %sign3A_3 : i1 to i32
    %sign3A_5 = arith.constant 0 : i32
    %sign3A_6 = arith.cmpi slt, %get3A_2, %sign3A_5 : i32
    %sign3A_7 = arith.extui %sign3A_6 : i1 to i32
    %sign3A_8 = arith.subi %sign3A_4, %sign3A_7 : i32
    %sign3A_9 = arith.constant 0 : i32
    %sign3A_10 = arith.cmpi sgt, %jit3A, %sign3A_9 : i32
    %sign3A_11 = arith.extui %sign3A_10 : i1 to i32
    %sign3A_12 = arith.constant 0 : i32
    %sign3A_13 = arith.cmpi slt, %jit3A, %sign3A_12 : i32
    %sign3A_14 = arith.extui %sign3A_13 : i1 to i32
    %sign3A_15 = arith.subi %sign3A_11, %sign3A_14 : i32
    %ne3A = arith.cmpi ne, %sign3A_8, %sign3A_15 : i32
    %rem3A = arith.remsi %get3A_2, %jit3A : i32
    %ne3A_16 = arith.constant 0 : i32
    %ne3A_17 = arith.cmpi ne, %rem3A, %ne3A_16 : i32
    %and3A = arith.andi %ne3A, %ne3A_17 : i1
    %sub3A = arith.constant 1 : i32
    %sub3A_18 = arith.subi %div3A, %sub3A : i32
    %select_n3A = arith.select %and3A, %sub3A_18, %div3A : i32
    %c0_i32 = arith.constant 0 : i32
    %c0_i32_19 = arith.constant 0 : i32
    %c0_i32_20 = arith.constant 0 : i32
    return %arg0, %c0_i32, %select_n3A, %c0_i32_19 : i32, i32, i32, i32
  }
}

module attributes {stable_mosaic.version = 14 : i64} {
  func.func @_tc_copy_body(%arg0: i32, %arg1: memref<4096x512xf32, #tpu.memory_space<vmem>>, %arg2: memref<4096x512xf32, #tpu.memory_space<vmem>>) attributes {dimension_semantics = [#tpu.dimension_semantics<arbitrary>], iteration_bounds = array<i64: 6>, scalar_prefetch = 0 : i64, scratch_operands = 0 : i64, tpu.core_type = #tpu.core_type<tc>, window_params = [{transform_indices = @transform_0, window_bounds = array<i64: 4096, 512>}, {transform_indices = @transform_1, window_bounds = array<i64: 4096, 512>}]} {
    %get3A = arith.constant 0 : index
    %get3A_0 = arith.constant 0 : index
    %get3A_1 = vector.load %arg1[%get3A, %get3A_0] : memref<4096x512xf32, #tpu.memory_space<vmem>>, vector<4096x512xf32>
    %swap3A = arith.constant 0 : index
    %swap3A_2 = arith.constant 0 : index
    %swap3A_3 = vector.load %arg2[%swap3A, %swap3A_2] : memref<4096x512xf32, #tpu.memory_space<vmem>>, vector<4096x512xf32>
    tpu.vector_store %arg2[%swap3A, %swap3A_2], %get3A_1 {strides = array<i32>} : memref<4096x512xf32, #tpu.memory_space<vmem>>, vector<4096x512xf32>,
    return
  }
  func.func @transform_0(%arg0: i32) -> (i32, i32) {
    %c0_i32 = arith.constant 0 : i32
    %c0_i32_0 = arith.constant 0 : i32
    return %arg0, %c0_i32 : i32, i32
  }
  func.func @transform_1(%arg0: i32) -> (i32, i32) {
    %c0_i32 = arith.constant 0 : i32
    %c0_i32_0 = arith.constant 0 : i32
    return %arg0, %c0_i32 : i32, i32
  }
}

</mosaic_0001>

<sc_bundles>
// kernel: kernel.5.cloned.1.call-start
scs
__scs_entry_jumppad:
0x0: {  	(pc) =	sbr.rel $0x88, $3  }
0x1: {  	(tag) =	ssettag $0x0;
	lr =	simm.s32 $0x1  }
0x2: {  	[smem:$0x3F9C] =	sst lr;
	_ =	strace $0xD0000000  }
0x3: {  	_ = 	snop  }
0x4: {  	_ = 	snop  }
0x5: {  	_ = 	snop  }
0x6: {  	_ = 	snop  }
0x7: {  	_ = 	snop  }
__scs_overlays_trampoline_lowered:
0x8: {  	[smem:$0x3FAB] =	sst s0  }
0x9: {  	[smem:$0x3FAC] =	sst s1  }
0xa: {  	[smem:$0x3FAD] =	sst s2  }
0xb: {  	[smem:$0x3FAE] =	sst s3  }
0xc: {  	[smem:$0x3FAF] =	sst s4  }
0xd: {  	[smem:$0x3FB0] =	sst s5  }
0xe: {  	[smem:$0x3FB1] =	sst s6  }
0xf: {  	[smem:$0x3FB2] =	sst s7  }
0x10: {  	[smem:$0x3FB3] =	sst s8  }
0x11: {  	[smem:$0x3FB4] =	sst s9;
	s0 =	simm.s32 @!p0 $0x0  }
0x12: {  	s1 =	sld [smem:$0x3F9A];
	s0 =	simm.s32 @p0 $0x1  }
0x13: {  	[smem:$0x3FB5] =	sst s0;
	s0 =	simm.s32 @!p1 $0x0  }
0x14: {  	s2 =	sld [smem:$0x3F99];
	s0 =	simm.s32 @p1 $0x1  }
0x15: {  	[smem:$0x3FB6] =	sst s0;
	s0 =	simm.s32 @!p2 $0x0  }
0x16: {  	s3 =	sld [smem:$0x3FDB];
	s0 =	simm.s32 @p2 $0x1  }
0x17: {  	s4 =	simm.s32 $0x1BF5;
	[smem:$0x3FB8] =	sst s0  }
0x18: {  	s0 =	sld [smem:$0x3F9B];
	_ =	swait.ge [sflag:s4], $0x0  }
0x19: {  	s7 =	sld [smem:$0x3F9C]  }
0x1a: {  	s8 =	sadd.s32 $0xFFFFE003, lr  }
0x1b: {  	s9 =	sadd.s32 $0xFFFFFEF7, lr;
	s5 =	simm.s32 $0xFFFFFFFF;
	p2 =	slt.u32 s8, $0xFFFFF086  }
0x1c: {  	p1 =	slt.u32 s9, $0xF7A;
	s5 =	simm.s32 @!p2 $0x0  }
0x1d: {  	s5 =	simm.s32 @p1 $0x1;
	p0 =	seq.s32 s7, s2  }
0x1e: {  	s7 =	smul.u32 @!p0 $0xF7A, s2;
	p2 =	seq.s32 @!p0 s5, $0x0  }
0x1f: {  	s9 =	smul.u32 $0xF7A, s1;
	s8 =	simm.s32 @!p0 $0x1BF5;
	p2 =	por !p2, p0  }
0x20: {  	[sflag:s8] =	ssyncset.s32 @!p0 $0xFFFFF086;
	s6 =	sadd.s32 @!p0 s3, s7;
	s7 =	simm.s32 @!p0 $0x108  }
0x21: {  	s3 =	sadd.s32 s3, s9;
	s6 =	sadd.s32 @!p0 $0x88, s6;
	s7 =	simm.s32 @p2 $0x1082  }
0x22: {  	[simem:s7], [sflag:s8] =	dma.local @!p0 [hbm:s6], $0xF7A  }
0x23: {  	s9 =	sor.u32 $0xD0000000, s2;
	s6 =	simm.s32 $0x108;
	_ =	swait.ge @!p0 [sflag:s8], $0x0  }
0x24: {  	s3 =	sadd.s32 $0x88, s3;
	s6 =	simm.s32 @!p1 $0x1082;
	[sflag:s4] =	ssyncset.s32 $0xFFFFF086  }
0x25: {  	[simem:s6], [sflag:s4] =	dma.local [hbm:s3], $0xF7A  }
0x26: {  	[smem:$0x3F9C] =	sst s1;
	(tag) =	ssettag s2;
	_ =	strace s9  }
0x27: {  	s1 =	sld [smem:$0x3FAC]  }
0x28: {  	s2 =	sld [smem:$0x3FAD]  }
0x29: {  	s4 =	sld [smem:$0x3FAF]  }
0x2a: {  	p0 =	seq.s32 s5, $0x0;
	s5 =	sld [smem:$0x3FB0]  }
0x2b: {  	s6 =	sld [smem:$0x3FB1]  }
0x2c: {  	s7 =	sld [smem:$0x3FB2]  }
0x2d: {  	s3 =	simm.s32 $0x108;
	s8 =	sld [smem:$0x3FB3]  }
0x2e: {  	s3 =	simm.s32 @!p0 $0x1082;
	s9 =	sld [smem:$0x3FB4]  }
0x2f: {  	lr =	sadd.s32 s0, s3;
	s0 =	sld [smem:$0x3FAB]  }
0x30: {  	s3 =	sld [smem:$0x3FAE]  }
0x31: {  	[smem:$0x3FB7] =	sst s10  }
0x32: {  	s10 =	sld [smem:$0x3FB5];
	_ =	sdelay $0x3  }
0x33: {  	p0 =	seq.s32 s10, $0x1;
	s10 =	sld [smem:$0x3FB7];
	_ =	sdelay $0x3  }
0x34: {  	[smem:$0x3FB7] =	sst s10  }
0x35: {  	s10 =	sld [smem:$0x3FB6];
	_ =	sdelay $0x3  }
0x36: {  	p1 =	seq.s32 s10, $0x1;
	s10 =	sld [smem:$0x3FB7];
	_ =	sdelay $0x3  }
0x37: {  	[smem:$0x3FB7] =	sst s10  }
0x38: {  	s10 =	sld [smem:$0x3FB8]  }
0x39: {  	_ = 	snop;
	(pc) =	sbr.ind lr, $3  }
0x3a: {  	_ = 	snop  }
0x3b: {  	_ = 	snop  }
0x3c: {  	p2 =	seq.s32 s10, $0x1;
	s10 =	sld [smem:$0x3FB7]  }
0x3d: {  	_ =	shalt  }
0x3e: {  	_ =	shalt  }
0x3f: {  	_ =	shalt  }
0x40: {  	_ =	shalt  }
0x41: {  	_ =	shalt  }
0x42: {  	_ =	shalt  }
0x43: {  	_ =	shalt  }
0x44: {  	_ =	shalt  }
0x45: {  	_ =	shalt  }
0x46: {  	_ =	shalt  }
0x47: {  	_ =	shalt  }
0x48: {  	_ =	shalt  }
0x49: {  	_ =	shalt  }
0x4a: {  	_ =	shalt  }
0x4b: {  	_ =	shalt  }
0x4c: {  	_ =	shalt  }
0x4d: {  	_ =	shalt  }
0x4e: {  	_ =	shalt  }
0x4f: {  	_ =	shalt  }
0x50: {  	_ =	shalt  }
0x51: {  	_ =	shalt  }
0x52: {  	_ =	shalt  }
0x53: {  	_ =	shalt  }
0x54: {  	_ =	shalt  }
0x55: {  	_ =	shalt  }
0x56: {  	_ =	shalt  }
0x57: {  	_ =	shalt  }
0x58: {  	_ =	shalt  }
0x59: {  	_ =	shalt  }
0x5a: {  	_ =	shalt  }
0x5b: {  	_ =	shalt  }
0x5c: {  	_ =	shalt  }
0x5d: {  	_ =	shalt  }
0x5e: {  	_ =	shalt  }
0x5f: {  	_ =	shalt  }
0x60: {  	_ =	shalt  }
0x61: {  	_ =	shalt  }
0x62: {  	_ =	shalt  }
0x63: {  	_ =	shalt  }
0x64: {  	_ =	shalt  }
0x65: {  	_ =	shalt  }
0x66: {  	_ =	shalt  }
0x67: {  	_ =	shalt  }
0x68: {  	_ =	shalt  }
0x69: {  	_ =	shalt  }
0x6a: {  	_ =	shalt  }
0x6b: {  	_ =	shalt  }
0x6c: {  	_ =	shalt  }
0x6d: {  	_ =	shalt  }
0x6e: {  	_ =	shalt  }
0x6f: {  	_ =	shalt  }
0x70: {  	_ =	shalt  }
0x71: {  	_ =	shalt  }
0x72: {  	_ =	shalt  }
0x73: {  	_ =	shalt  }
0x74: {  	_ =	shalt  }
0x75: {  	_ =	shalt  }
0x76: {  	_ =	shalt  }
0x77: {  	_ =	shalt  }
0x78: {  	_ =	shalt  }
0x79: {  	_ =	shalt  }
0x7a: {  	_ =	shalt  }
0x7b: {  	_ =	shalt  }
0x7c: {  	_ =	shalt  }
0x7d: {  	_ =	shalt  }
0x7e: {  	_ =	shalt  }
0x7f: {  	_ =	shalt  }
0x80: {  	_ =	shalt  }
0x81: {  	_ =	shalt  }
0x82: {  	_ =	shalt  }
0x83: {  	_ =	shalt  }
0x84: {  	_ =	shalt  }
0x85: {  	_ =	shalt  }
0x86: {  	_ =	shalt  }
0x87: {  	_ =	shalt  }
.Lfunc_end0:
.L_simem_size_0:
called_computation_lowered:
.L_overlay_start_0:
0x88: {  	s2 =	sld [smem:$0x3FD9]  }
0x89: {  	s3 =	sld [smem:$0x3FFE];
	_ =	sdelay $0x1  }
0x8a: {  	s1 =	srdreg.scid  }
0x8b: {  	s0 =	sand.u32 $0x1, s1  }
0x8c: {  	s15 =	sshll.u32 s0, $0xA;
	s2 =	sadd.s32 s3, s2  }
0x8d: {  	s2 =	sadd.s32 s2, s15  }
0x8e: {  	[smem:$0x3FC3] =	sst s2  }
0x8f: {  	_ = 	snop  }
0x90: {  	s2 =	sld [smem:$0x3FD0];
	_ =	sdelay $0x2  }
0x91: {  	s4 =	simm.s32 $0xA;
	s5 =	simm.s32 $0x10;
	s16 =	sld [smem:$0x3FC7]  }
0x92: {  	[smem:s5], [sflag:s4] =	dma.local [hbm:s2], $0x1  }
0x93: {  	_ =	swait.eq [sflag:s4], $0x1  }
0x94: {  	[sflag:s4] =	ssyncset.done $0x0  }
0x95: {  	[sflag:s4] =	ssyncadd.s32 $0xFFFFFFFF  }
0x96: {  	s17 =	sld [smem:$0x12];
	(tm) =	ssettm $0x1  }
0x97: {  	s18 =	sld [smem:$0x3FFB];
	_ =	sdelay $0x3  }
0x98: {  	_ =	strace s18  }
0x99: {  	s4 =	sld [smem:$0x3FFC];
	_ =	sdelay $0x3  }
0x9a: {  	_ =	strace s4  }
0x9b: {  	s4 =	sld [smem:$0x3FFD];
	_ =	sdelay $0x3  }
0x9c: {  	_ =	strace s4  }
0x9d: {  	_ =	strace $0x8FFFFFFF  }
0x9e: {  	s19 =	sld [smem:$0x3FDB];
	_ =	sdelay $0x1  }
0x9f: {  	s20 =	simm.s32 $_scs_section_size  }
0xa0: {  	s6 =	simm.s32 $_size__tile_overlayer_lowered;
	s7 =	simm.s32 $_tile_overlayer_lowered  }
0xa1: {  	s23 =	simm.s32 $0x1BFF;
	s22 =	sshll.u32 s7, $0x1;
	s4 =	sadd.s32 s20, s19  }
0xa2: {  	s8 =	simm.s32 $0x0;
	s21 =	sshll.u32 s6, $0x1;
	s6 =	sadd.s32 s22, s4  }
0xa3: {  	[timem:s8], [sflag:s23] =	dma.local [hbm:s6], s21  }
0xa4: {  	_ =	swait.ge [sflag:s23], s21  }
0xa5: {  	s5 =	ssub.s32 $0x0, s21;
	[sflag:s23] =	ssyncset.done $0x0  }
0xa6: {  	[sflag:s23] =	ssyncadd.s32 s5;
	_ =	sdelay $0x1  }
0xa7: {  	s24 =	simm.s32 $0x1B8B  }
0xa8: {  	_ =	swait.ge [sflag:s24], $0x1  }
0xa9: {  	[sflag:s24] =	ssyncset.done $0x0  }
0xaa: {  	s25 =	simm.s32 $0x1B8E;
	[sflag:s24] =	ssyncadd.s32 $0xFFFFFFFF  }
0xab: {  	s26 =	simm.s32 $execute0_lowered;
	[smem:$0x3FD2] =	sst s25  }
0xac: {  	s5 =	sshll.u32 s26, $0x1;
	_ =	strace $0x80000046;
	[dreg:$0x1] =	wrdreg $0xFFFFFFFF  }
0xad: {  	s28 =	simm.s32 $_size_execute0_lowered;
	s4 =	sadd.s32 s4, s5;
	[dreg:$0x0] =	wrdreg $0x0  }
0xae: {  	s5 =	sshll.u32 s28, $0x1;
	[dreg:$0x2] =	wrdreg s4  }
0xaf: {  	[dreg:$0x3] =	wrdreg s5  }
0xb0: {  	[dreg:$0x4] =	wrdreg $0xC0  }
0xb1: {  	_ =	task [dreg:s8], $0x5FFFF  }
0xb2: {  	[dreg:$0x1] =	wrdreg $0xFFFFFFFF  }
0xb3: {  	[dreg:$0x0] =	wrdreg $0x60  }
0xb4: {  	[dreg:$0x2] =	wrdreg s16  }
0xb5: {  	[dreg:$0x3] =	wrdreg s17  }
0xb6: {  	[dreg:$0x4] =	wrdreg $0x9  }
0xb7: {  	_ =	task.clear_ibuf [dreg:s8], $0x5FFFF;
	_ =	strace $0x90000046  }
0xb8: {  	s29 =	simm.s32 $0x9;
	_ =	strace $0x80000048  }
0xb9: {  	_ =	swait.ge [sflag:s29], $0x1  }
0xba: {  	[sflag:s29] =	ssyncadd.s32 $0xFFFFFFFF  }
0xbb: {  	_ =	strace $0x90000048  }
0xbc: {  	_ =	sfence  }
0xbd: {  	s30 =	sld [smem:$0x0];
	_ =	sdelay $0x2  }
0xbe: {  	s31 =	sshll.u32 s1, $0xD;
	s1 =	sshrl.u32 s1, $0x2  }
0xbf: {  	s3 =	sand.u32 $0x4000, s31;
	s1 =	sadd.s32 s1, s30  }
0xc0: {  	s0 =	sor.u32 s3, s0;
	s1 =	sshll.u32 s1, $0x11  }
0xc1: {  	s0 =	sor.u32 s1, s0  }
0xc2: {  	s0 =	sadd.s32 $0x8F2B, s0  }
0xc3: {  	[sflag:s0] =	ssyncadd.remote.s32 $0x1  }
0xc4: {  	_ =	sfence.sel $0xFFFF  }
0xc5: {  	[dreg:$0x0] =	wrdreg $0xFFFFFFFF;
	(pc) =	sbr.abs _section_cstart, $3  }
0xc6: {  	[dreg:$0x1] =	wrdreg $0xFFFFFFFF  }
0xc7: {  	_ =	task.clear_ibuf [dreg:s8], $0x2FFFF;
	_ =	strace $0x9FFFFFFF  }
0xc8: {  	(tm) =	ssettm $0x7FFFFFFF  }
0xc9: {  	_ =	shalt  }
tec
execute0_lowered:
.L_overlay_start_1:
0x0: {  	(tag) =	ssettag $0x1  }
0x1: {  	s1 =	stileid.u32  }
0x2: {  	p0 =	sgt.u32 s1, $0x3  }
.Ltmp0:
0x3: {  	_ = 	snop;
	(pc) =	sbr.rel @p0 .LBB2_5-.Ltmp0, $4  }
0x4: {  	s4 =	rddreg [dreg:$0x0]  }
0x5: {  	s3 =	rddreg [dreg:$0x1];
	s2 =	simm.s32 $0x0  }
0x6: {  	[smem:$0x7FF] =	sst s2  }
0x7: {  	s0 =	rddreg [dreg:$0x2];
	_ =	strace $0x80000047  }
0x8: {  	s5 =	srdreg.scid  }
0x9: {  	s5 =	sand.u32 $0x1, s5  }
0xa: {  	s6 =	sshll.u32 s1, $0x1;
	s7 =	ssub.s32 $0x2, s5  }
0xb: {  	s5 =	sor.u32 s5, s6;
	s31 =	sshrl.u32 s7, $0x1  }
0xc: {  	s8 =	sshll.u32 s5, $0x7;
	s5 =	sshll.u32 s5, $0xA;
	s6 =	ssub.s32 s7, s31  }
0xd: {  	v0 =	vlaneseq.u32;
	s3 =	sadd.s32 s3, s8;
	s4 =	sadd.s32 s4, s5;
	s7 =	simm.s32 $0x2000  }
0xe: {  	vm0 =	vmmov $0x3fff;
	vm1 =	vmmov $0xff;
	v0 =	vor.u32 $0x80000000, v0;
	s8 =	simm.s32 $0x0;
	s5 =	smax.u32 s6, $0x1;
	s6 =	simm.s32 $0x1  }
.LBB2_2:
0xf: {  	s9 =	simm.s32 $0x0  }
0x10: {  	[tilespmem:s9], [sflag:$0x1] =	stream.linear.gather [hbm4b:s4+s9], $0x2000, $0x38;
	[tilespmem:$0x2400] =	vst v63  }
0x11: {  	_ =	swait.ge [sflag:s6], $0x2000  }
0x12: {  	[sflag:s6] =	ssyncset.done $0x0  }
0x13: {  	s10 =	simm.s32 $0x20;
	[sflag:s6] =	ssyncadd.s32 $0xFFFFE000  }
0x14: {  	v1 =	vld [tilespmem:s10+$0xFFFFFFE0]  }
0x15: {  	v2 =	vld [tilespmem:s10+$0xFFFFFFF0];
	_ =	sdelay $0x2  }
0x16: {  	v3 =	vld [tilespmem:s10+$0x0]  }
0x17: {  	(xrf0) =	vmax.scan.msk.f32 $0xffff, v1  }
0x18: {  	v4 =	vld [tilespmem:s10+$0x10];
	(xrf0) =	vmax.scan.msk.f32 $0xffff, v2;
	_ =	sdelay $0x2  }
0x19: {  	s29 =	simm.s32 $0xA0;
	(xrf0) =	vmax.scan.msk.f32 $0xffff, v3  }
0x1a: {  	v5 =	vld [tilespmem:s29+$0xFFFFFFE0]  }
0x1b: {  	v4 =	vnsel vm0, $0xFF7FC99E, v4;
	v6, _, _ =	vpop (xrf0)  }
0x1c: {  	(xrf0) =	vmax.scan.msk.f32 $0xffff, v4;
	v7 =	vbroadcast v6, $0xF;
	v8, _, _ =	vpop (xrf0)  }
0x1d: {  	v9 =	vld [tilespmem:s29+$0xFFFFFFF0];
	v10 =	vbroadcast v8, $0xF  }
0x1e: {  	vm2 =	veq.f32 v1, v7  }
0x1f: {  	(xrf0) =	vmax.scan.msk.f32 $0xffff, v5;
	v1 =	vnsel vm2, $0x80000010, v0;
	vm2 =	veq.f32 v2, v10;
	v2, _, _ =	vpop (xrf0)  }
0x20: {  	v7 =	vld [tilespmem:s29+$0x0];
	v10 =	vnsel vm2, $0x80000010, v0;
	v11 =	vbroadcast v2, $0xF;
	(xrf0) =	vmin.scan.msk.u32 $0xffff, v1  }
0x21: {  	(xrf0) =	vmin.scan.msk.u32 $0xffff, v10  }
0x22: {  	v1 =	vld [tilespmem:s29+$0x10];
	(xrf0) =	vmax.scan.msk.f32 $0xffff, v9;
	vm2 =	veq.f32 v3, v11;
	v3, _, _ =	vpop (xrf0)  }
0x23: {  	v10 =	vnsel vm2, $0x80000010, v0;
	v11 =	vbroadcast v3, $0xF  }
0x24: {  	(xrf0) =	vmin.scan.msk.u32 $0xffff, v10  }
0x25: {  	(v2sf) =	vpush v8, $0xF;
	v8, _, _ =	vpop (xrf0);
	(xrf0) =	vmax.scan.msk.f32 $0xffff, v7;
	vm2 =	veq.f32 v4, v11  }
0x26: {  	s30 =	simm.s32 $0x120;
	v4 =	vnsel vm2, $0x80000010, v0;
	v10, _, _ =	vpop (xrf0)  }
0x27: {  	(v2sf) =	vpush v6, $0xF;
	v6 =	vld [tilespmem:s30+$0xFFFFFFE0];
	v11 =	vnsel vm0, $0xFF7FC99E, v1;
	v1, _, _ =	vpop (xrf0);
	(xrf0) =	vmin.scan.msk.u32 $0xffff, v4;
	v4 =	vbroadcast v8, $0xF  }
0x28: {  	(v2sf) =	vpush v10, $0xF;
	v10, _, _ =	vpop (xrf0);
	(xrf0) =	vmax.scan.msk.f32 $0xffff, v11  }
0x29: {  	(v2sf) =	vpush v1, $0xF;
	v1 =	vbroadcast v10, $0xF;
	vm2 =	veq.f32 v5, v4  }
0x2a: {  	v12 =	vld [tilespmem:s30+$0xFFFFFFF0];
	(v2sf) =	vpush v2, $0xF;
	v2, _, _ =	vpop (xrf0);
	v4 =	vnsel vm2, $0x80000010, v0  }
0x2b: {  	vm2 =	veq.f32 v9, v1;
	v9, _, _ =	vpop (xrf0)  }
0x2c: {  	(xrf0) =	vmax.scan.msk.f32 $0xffff, v6;
	(v2sf) =	vpush v2, $0xF;
	v2 =	vbroadcast v9, $0xF  }
0x2d: {  	v13 =	vld [tilespmem:s30+$0x0];
	(xrf0) =	vmin.scan.msk.u32 $0xffff, v4;
	v1 =	vnsel vm2, $0x80000010, v0;
	v4, _, _ =	vpop (xrf0)  }
0x2e: {  	(xrf0) =	vmin.scan.msk.u32 $0xffff, v1;
	vm2 =	veq.f32 v7, v2;
	v14, _, _ =	vpop (xrf0)  }
0x2f: {  	(xrf0) =	vmax.scan.msk.f32 $0xffff, v12;
	v1 =	vnsel vm2, $0x80000010, v0;
	v2 =	vbroadcast v14, $0xF  }
0x30: {  	v5 =	vld [tilespmem:s30+$0x10];
	(v2sf) =	vpush v3, $0xF  }
0x31: {  	(v2sf) =	vpush v4, $0xF;
	(xrf0) =	vmin.scan.msk.u32 $0xffff, v1;
	vm2 =	veq.f32 v11, v2  }
0x32: {  	v1, _, _ =	vpop (xrf0);
	(xrf0) =	vmax.scan.msk.f32 $0xffff, v13;
	v3 =	vnsel vm2, $0x80000010, v0  }
0x33: {  	s15 =	simm.s32 $0x1A0;
	(v2sf) =	vpush v10, $0xF;
	v4, _, _ =	vpop (xrf0);
	(xrf0) =	vmin.scan.msk.u32 $0xffff, v3  }
0x34: {  	(v2sf) =	vpush v8, $0xF;
	v2 =	vld [tilespmem:s15+$0xFFFFFFE0];
	v3 =	vbroadcast v1, $0xF;
	v7, _, _ =	vpop (xrf0)  }
0x35: {  	s16 =	spop (v2sf);
	v5 =	vnsel vm0, $0xFF7FC99E, v5;
	(v2sf) =	vpush v4, $0xF;
	v8, _, _ =	vpop (xrf0)  }
0x36: {  	s17 =	spop (v2sf);
	(xrf0) =	vmax.scan.msk.f32 $0xffff, v5;
	(v2sf) =	vpush v7, $0xF;
	v10 =	vbroadcast v8, $0xF  }
0x37: {  	s10 =	simm.f32 $-3.399999950e+38;
	v4 =	vld [tilespmem:s15+$0xFFFFFFF0];
	vm2 =	veq.f32 v6, v3;
	v6, _, _ =	vpop (xrf0);
	s11 =	spop (v2sf);
	(v2sf) =	vpush v9, $0xF  }
0x38: {  	s13 =	simm.s32 $0x8000003E;
	p0 =	sgt.f32 s17, s10;
	v7 =	vnsel vm2, $0x80000010, v0;
	s19 =	spop (v2sf);
	(v2sf) =	vpush v6, $0xF;
	vm2 =	veq.f32 v12, v10;
	v3, _, _ =	vpop (xrf0)  }
0x39: {  	s14 =	simm.s32 $0x80000000;
	s12 =	simm.s32 $0x8000007C;
	(xrf0) =	vmax.scan.msk.f32 $0xffff, v2;
	s18 =	sadd.s32 $0x80000000, s11;
	(v2sf) =	vpush v14, $0xF;
	v6 =	vnsel vm2, $0x80000010, v0;
	v11, _, _ =	vpop (xrf0)  }
0x3a: {  	s10 =	smov.u32 @p0 s17;
	s17 =	simm.s32 $0x800000F8;
	(xrf0) =	vmin.scan.msk.u32 $0xffff, v7;
	s9 =	smov.u32 @p0 s18;
	v10 =	vbroadcast v3, $0xF;
	(v2sf) =	vpush v11, $0xF  }
0x3b: {  	v7 =	vld [tilespmem:s15+$0x0];
	s31 =	sadd.s32 $0x80000000, s19;
	p0 =	sgt.f32 s16, s10;
	s20 =	spop (v2sf);
	(xrf0) =	vmin.scan.msk.u32 $0xffff, v6  }
0x3c: {  	v9 =	vld [tilespmem:s15+$0x10];
	s11 =	simm.s32 $0x800000BA;
	s19 =	sadd.s32 $0x10, s31;
	s18 =	spop (v2sf);
	(xrf0) =	vmax.scan.msk.f32 $0xffff, v4;
	vm2 =	veq.f32 v13, v10;
	v6, _, _ =	vpop (xrf0)  }
.LBB2_3:
0x3d: {  	s10 =	smov.u32 @p0 s16  }
0x3e: {  	p1 =	sne.s32 s17, $0x80000EC6;
	v12 =	vnsel vm2, $0x80000010, v0;
	v11 =	vbroadcast v6, $0xF;
	s9 =	smov.u32 @p0 s19;
	p0 =	sgt.f32 s20, s10  }
0x3f: {  	s16 =	sadd.s32 s14, s18;
	s15 =	sadd.s32 $0x80, s15;
	(v2sf) =	vpush v8, $0xF;
	(xrf0) =	vmin.scan.msk.u32 $0xffff, v12;
	s18 =	spop (v2sf)  }
0x40: {  	s16 =	sadd.s32 $0x20, s16;
	(xrf0) =	vmax.scan.msk.f32 $0xffff, v7;
	vm2 =	veq.f32 v5, v11;
	(v2sf) =	vpush v1, $0xF;
	v1, _, _ =	vpop (xrf0);
	s19 =	spop (v2sf);
	v10 =	vmov v7;
	s10 =	smov.u32 @p0 s20  }
0x41: {  	v11 =	vld [tilespmem:s15+$0xFFFFFFE0];
	v7 =	vnsel vm2, $0x80000010, v0;
	v8, _, _ =	vpop (xrf0);
	s9 =	smov.u32 @p0 s16;
	s14 =	sadd.s32 s14, s19;
	p0 =	sgt.f32 s18, s10  }
0x42: {  	v5 =	vnsel vm0, $0xFF7FC99E, v9;
	(v2sf) =	vpush v8, $0xF;
	v9, _, _ =	vpop (xrf0);
	(xrf0) =	vmin.scan.msk.u32 $0xffff, v7;
	s16 =	spop (v2sf);
	s20 =	sadd.s32 $0x30, s14  }
0x43: {  	v7 =	vbroadcast v1, $0xF;
	s14 =	smov.u32 s13;
	v8, _, _ =	vpop (xrf0);
	(xrf0) =	vmax.scan.msk.f32 $0xffff, v5;
	(v2sf) =	vpush v9, $0xF;
	s19 =	spop (v2sf);
	s10 =	smov.u32 @p0 s18  }
0x44: {  	s13 =	smov.u32 s12;
	v12 =	vld [tilespmem:s15+$0xFFFFFFF0];
	v9 =	vbroadcast v8, $0xF;
	s9 =	smov.u32 @p0 s20;
	p0 =	sgt.f32 s19, s10  }
.Ltmp1:
0x45: {  	vm2 =	veq.f32 v2, v7;
	(v2sf) =	vpush v3, $0xF;
	v2, _, _ =	vpop (xrf0);
	s12 =	spop (v2sf);
	(pc) =	sbr.rel @p1 .LBB2_3-.Ltmp1, $4  }
0x46: {  	v13 =	vnsel vm2, $0x80000010, v0;
	(xrf0) =	vmax.scan.msk.f32 $0xffff, v11;
	vm2 =	veq.f32 v4, v9;
	v3, _, _ =	vpop (xrf0);
	(v2sf) =	vpush v2, $0xF;
	s18 =	sadd.s32 s14, s12;
	s20 =	spop (v2sf);
	s12 =	smov.u32 s11  }
0x47: {  	v2 =	vmovc v11;
	s11 =	smov.u32 s17;
	v7 =	vld [tilespmem:s15+$0x0];
	v9 =	vnsel vm2, $0x80000010, v0;
	v14 =	vbroadcast v3, $0xF;
	(xrf0) =	vmin.scan.msk.u32 $0xffff, v13;
	s10 =	smov.u32 @p0 s19;
	s9 =	smov.u32 @p0 s18  }
0x48: {  	s18 =	sadd.s32 s14, s20;
	(xrf0) =	vmin.scan.msk.u32 $0xffff, v9;
	(v2sf) =	vpush v6, $0xF;
	v4, _, _ =	vpop (xrf0);
	p0 =	sgt.f32 s16, s10;
	s20 =	spop (v2sf)  }
0x49: {  	s17 =	sadd.s32 $0x3E, s17;
	s19 =	sadd.s32 $0x10, s18;
	v9 =	vld [tilespmem:s15+$0x10];
	(xrf0) =	vmax.scan.msk.f32 $0xffff, v12;
	vm2 =	veq.f32 v10, v14;
	v6, _, _ =	vpop (xrf0);
	(v2sf) =	vpush v4, $0xF;
	s18 =	spop (v2sf);
	v4 =	vmov v12  }
0x4a: {  	v10 =	vbroadcast v6, $0xF;
	_ =	sdelay $0x1  }
0x4b: {  	s10 =	smov.u32 @p0 s16;
	v11 =	vnsel vm2, $0x80000010, v0;
	(v2sf) =	vpush v8, $0xF;
	vm2 =	veq.f32 v5, v10  }
0x4c: {  	p1 =	sgt.f32 s20, s10;
	(v2sf) =	vpush v1, $0xF;
	v1 =	vnsel vm2, $0x80000010, v0  }
0x4d: {  	(xrf0) =	vmin.scan.msk.u32 $0xffff, v11  }
0x4e: {  	s15 =	spop (v2sf);
	(xrf0) =	vmax.scan.msk.f32 $0xffff, v7;
	v58, _, _ =	vpop (xrf0);
	s10 =	smov.u32 @p1 s20  }
0x4f: {  	s31 =	spop (v2sf);
	p2 =	sgt.f32 s15, s10;
	(xrf0) =	vmin.scan.msk.u32 $0xffff, v1;
	v1, _, _ =	vpop (xrf0)  }
0x50: {  	v59 =	vnsel vm0, $0xFF7FC99E, v9;
	s17 =	spop (v2sf);
	(v2sf) =	vpush v1, $0xF;
	v1 =	vbroadcast v58, $0xF  }
0x51: {  	s20 =	spop (v2sf);
	(xrf0) =	vmax.scan.msk.f32 $0xffff, v59;
	s10 =	smov.u32 @p2 s15  }
0x52: {  	v60, _, _ =	vpop (xrf0);
	p3 =	sgt.f32 s20, s10;
	vm2 =	veq.f32 v2, v1  }
0x53: {  	v61, _, _ =	vpop (xrf0);
	(v2sf) =	vpush v60, $0xF;
	v2 =	vnsel vm2, $0x80000010, v0  }
0x54: {  	v62 =	vbroadcast v61, $0xF;
	(v2sf) =	vpush v3, $0xF;
	s10 =	smov.u32 @p3 s20;
	v1, _, _ =	vpop (xrf0)  }
0x55: {  	s20 =	spop (v2sf);
	p4 =	sgt.f32 s17, s10;
	v3, _, _ =	vpop (xrf0)  }
0x56: {  	s22 =	spop (v2sf);
	vm2 =	veq.f32 v4, v62;
	(xrf0) =	vmin.scan.msk.u32 $0xffff, v2;
	(v2sf) =	vpush v1, $0xF;
	v1 =	vbroadcast v3, $0xF;
	v2, _, _ =	vpop (xrf0)  }
0x57: {  	s21 =	spop (v2sf);
	v4 =	vnsel vm2, $0x80000010, v0;
	s10 =	smov.u32 @p4 s17;
	(v2sf) =	vpush v6, $0xF;
	v63, _, _ =	vpop (xrf0)  }
0x58: {  	(xrf0) =	vmin.scan.msk.u32 $0xffff, v4;
	p5 =	sgt.f32 s21, s10;
	(v2sf) =	vpush v2, $0xF;
	vm2 =	veq.f32 v7, v1;
	v1 =	vbroadcast v63, $0xF  }
0x59: {  	s23 =	spop (v2sf);
	(v2sf) =	vpush v61, $0xF;
	v2 =	vnsel vm2, $0x80000010, v0  }
0x5a: {  	s9 =	smov.u32 @p0 s19;
	s19 =	spop (v2sf);
	s10 =	smov.u32 @p5 s21;
	(v2sf) =	vpush v58, $0xF;
	(xrf0) =	vmin.scan.msk.u32 $0xffff, v2;
	vm2 =	veq.f32 v59, v1  }
0x5b: {  	s18 =	sadd.s32 s14, s18;
	s24 =	spop (v2sf);
	p0 =	sgt.f32 s19, s10;
	v1 =	vnsel vm2, $0x80000010, v0  }
0x5c: {  	s18 =	sadd.s32 $0x20, s18;
	s16 =	spop (v2sf);
	v2, _, _ =	vpop (xrf0);
	(xrf0) =	vmin.scan.msk.u32 $0xffff, v1  }
0x5d: {  	s25 =	sadd.s32 s14, s31;
	s10 =	smov.u32 @p0 s19;
	s19 =	spop (v2sf);
	(v2sf) =	vpush v2, $0xF  }
0x5e: {  	s9 =	smov.u32 @p1 s18;
	s14 =	sadd.s32 $0x30, s25;
	p1 =	sgt.f32 s19, s10;
	v1, _, _ =	vpop (xrf0)  }
0x5f: {  	s9 =	smov.u32 @p2 s14;
	s14 =	sadd.s32 s13, s20;
	s26 =	sadd.s32 s13, s22;
	(v2sf) =	vpush v1, $0xF  }
0x60: {  	s9 =	smov.u32 @p3 s14;
	s14 =	sadd.s32 $0x10, s26;
	s10 =	smov.u32 @p1 s19;
	(v2sf) =	vpush v3, $0xF;
	v1, _, _ =	vpop (xrf0)  }
0x61: {  	s28 =	sadd.s32 s13, s23;
	s29 =	spop (v2sf);
	p2 =	sgt.f32 s16, s10;
	(v2sf) =	vpush v1, $0xF  }
0x62: {  	s9 =	smov.u32 @p4 s14;
	s14 =	sadd.s32 $0x20, s28;
	s30 =	spop (v2sf);
	(v2sf) =	vpush v63, $0xF;
	v1, _, _ =	vpop (xrf0)  }
0x63: {  	s31 =	sadd.s32 s13, s24;
	s18 =	spop (v2sf);
	s10 =	smov.u32 @p2 s16;
	(v2sf) =	vpush v1, $0xF  }
0x64: {  	s9 =	smov.u32 @p5 s14;
	s13 =	sadd.s32 $0x30, s31;
	p3 =	sgt.f32 s18, s10  }
0x65: {  	s9 =	smov.u32 @p0 s13;
	s19 =	spop (v2sf)  }
0x66: {  	s14 =	sadd.s32 s12, s29;
	s10 =	smov.u32 @p3 s18;
	s16 =	spop (v2sf)  }
0x67: {  	s15 =	sadd.s32 s12, s30;
	s20 =	spop (v2sf);
	p0 =	sgt.f32 s16, s10  }
0x68: {  	s9 =	smov.u32 @p1 s14;
	s14 =	sadd.s32 $0x10, s15;
	s15 =	spop (v2sf)  }
0x69: {  	s13 =	sadd.s32 s12, s19;
	s18 =	spop (v2sf);
	s10 =	smov.u32 @p0 s16  }
0x6a: {  	s9 =	smov.u32 @p2 s14;
	s13 =	sadd.s32 $0x20, s13;
	p1 =	sgt.f32 s18, s10  }
0x6b: {  	s9 =	smov.u32 @p3 s13;
	s21 =	sadd.s32 s12, s20  }
0x6c: {  	s12 =	sadd.s32 $0x30, s21;
	s10 =	smov.u32 @p1 s18;
	s22 =	spop (v2sf)  }
0x6d: {  	s9 =	smov.u32 @p0 s12;
	p0 =	sgt.f32 s15, s10;
	s12 =	sadd.s32 s11, s22  }
0x6e: {  	s23 =	spop (v2sf);
	s9 =	smov.u32 @p1 s12  }
0x6f: {  	s10 =	smov.u32 @p0 s15;
	s24 =	sadd.s32 s11, s23;
	s13 =	spop (v2sf)  }
0x70: {  	s12 =	sadd.s32 $0x10, s24;
	s25 =	spop (v2sf);
	p1 =	sgt.f32 s13, s10  }
0x71: {  	s9 =	smov.u32 @p0 s12;
	s12 =	spop (v2sf)  }
0x72: {  	s14 =	sadd.s32 s11, s25;
	s26 =	spop (v2sf);
	s10 =	smov.u32 @p1 s13  }
0x73: {  	s13 =	sadd.s32 $0x20, s14;
	s28 =	sadd.s32 s11, s26;
	p0 =	sgt.f32 s12, s10  }
0x74: {  	s9 =	smov.u32 @p1 s13;
	s11 =	sadd.s32 $0x30, s28  }
0x75: {  	s9 =	smov.u32 @p0 s11  }
0x76: {  	s11 =	smulhi.u32 $0x84210843, s9;
	s29 =	sshra.s32 s9, $0x1F  }
0x77: {  	s13 =	smul.u32 $0x84210843, s29  }
0x78: {  	s11 =	ssub.s32 s11, s9  }
0x79: {  	s11 =	sadd.s32 s13, s11  }
0x7a: {  	s11 =	sadd.s32 s9, s11  }
0x7b: {  	s30 =	sshrl.u32 s11, $0x1F;
	s11 =	sshra.s32 s11, $0x5  }
0x7c: {  	s11 =	sadd.s32 s30, s11  }
0x7d: {  	s13 =	smul.u32 $0xFFFFFFC2, s11;
	_ =	sdelay $0x1  }
0x7e: {  	s13 =	sadd.s32 s9, s13  }
0x7f: {  	p5 =	slt.s32 s9, $0x1;
	p6 =	sne.s32 s13, $0x0  }
0x80: {  	s9 =	simm.s32 $0x1;
	p1 =	por !p5, !p6  }
0x81: {  	p2 =	slt.s32 s13, $0x0;
	s14 =	sadd.s32 $0x3E, s13;
	p1 =	por !p1, !p1  }
0x82: {  	s13 =	smov.u32 @p2 s14;
	s9 =	simm.s32 @!p1 $0x0  }
0x83: {  	s10 =	smov.u32 @p0 s12;
	s31 =	smul.u32 $0x6, s13;
	s9 =	ssub.s32 s11, s9  }
0x84: {  	p0 =	sgt.f32 s10, $0.0e+00;
	s9 =	smul.u32 $0x6, s9  }
0x85: {  	s10 =	sadd.s32 $0x46, s31  }
0x86: {  	s10 =	simm.s32 @!p0 $0x46;
	s9 =	sadd.s32 $0x46, s9  }
0x87: {  	v1 =	vmov s10;
	s9 =	simm.s32 @!p0 $0x46  }
0x88: {  	v1 =	vsel vm1, s9, v1  }
0x89: {  	[tilespmem:$0x2000] =	vst v1  }
0x8a: {  	[tilespmem:$0x2080] =	vst v1  }
0x8b: {  	[tilespmem:$0x2100] =	vst v1  }
0x8c: {  	[tilespmem:$0x2180] =	vst v1  }
0x8d: {  	[tilespmem:$0x2200] =	vst v1  }
0x8e: {  	s8 =	sadd.s32 $0x1, s8;
	[tilespmem:$0x2280] =	vst v1  }
0x8f: {  	p0 =	sne.s32 s8, s5;
	[tilespmem:$0x2300] =	vst v1  }
.Ltmp2:
0x90: {  	[tilespmem:$0x2380] =	vst v1;
	(pc) =	sbr.rel @p0 .LBB2_2-.Ltmp2, $4  }
0x91: {  	[hbm4b:s3+s2] =	stream.linear.scatter [tilespmem:s7], [sflag:$0x1], $0x400, $0x38;
	[tilespmem:$0x2400] =	vst v63  }
0x92: {  	_ =	swait.ge [sflag:s6], $0x400  }
0x93: {  	[sflag:s6] =	ssyncset.done $0x0  }
0x94: {  	[sflag:s6] =	ssyncadd.s32 $0xFFFFFC00  }
.LBB2_5:
0x95: {  	_ =	sfence.sel $0x180000  }
0x96: {  	[bflag:$0x0] =	sbarrier.arrive $0xFFFF  }
0x97: {  	p0 =	sne.s32 s1, $0x0;
	_ =	strace $0x90000047  }
0x98: {  	s0 =	sadd.s32 @!p0 $0x100000, s0;
	[bflag:$0x2] =	sbarrier.arrive $0xFFFF  }
0x99: {  	[sflag:s0] =	ssyncadd.tile.s32 @!p0 $0x1;
	_ =	shalt  }
.Lfunc_end2:
_tile_overlayer_lowered:
.L_overlay_start_2:
0x9a: {  	(tag) =	ssettag $0x2  }
0x9b: {  	s0 =	rddreg [dreg:$0x0];
	s2 =	stileid.u32  }
0x9c: {  	s1 =	rddreg [dreg:$0x1];
	p0 =	sne.s32 s2, $0x0  }
0x9d: {  	s3 =	rddreg [dreg:$0x2];
	[bflag:$0x3] =	sbarrier.arrive $0xFFFF;
	s2 =	simm.s32 @!p0 $0x1C01  }
0x9e: {  	[timem:s3], [sflag:s2] =	dma.local @!p0 [hbm:s0], s1  }
0x9f: {  	s0 =	simm.s32 @!p0 $0x1  }
0xa0: {  	_ =	swait.ge @!p0 [sflag:s0], s1  }
0xa1: {  	s1 =	ssub.s32 @!p0 $0x0, s1;
	[sflag:s0] =	ssyncset.done @!p0 $0x0  }
0xa2: {  	[sflag:s0] =	ssyncadd.s32 @!p0 s1  }
0xa3: {  	[bflag:$0x3] =	sbarrier.arrive $0xFFFF  }
0xa4: {  	_ =	shalt  }

</sc_bundles>
